<compile_context>
chip_gen: v7x
topology: tpu7x:2x2x1
jax: 0.10.2.dev20260603
libtpu: 0.0.44.dev20260713+nightly
codegen_flags: <defaults>
</compile_context>

<pallas_src>
import functools

import jax
import jax.numpy as jnp
from jax import lax
from jax.experimental import pallas as pl
from jax.experimental.pallas import tpu as pltpu
from jax.experimental.pallas import tpu_sc as plsc

NB = 16
RADIUS = 0.22
K = 32
N = 16384
M = 1024
F1, F2, F3 = 64, 128, 256
PR, PC = 128, 128
BIG = 1 << 30


def _fps_body(px_ref, py_ref, pz_ref, sx_ref, sy_ref, sz_ref, dist_ref):
    px = px_ref[...]
    py = py_ref[...]
    pz = pz_ref[...]
    fio = (lax.broadcasted_iota(jnp.int32, (PR, PC), 0) * PC
           + lax.broadcasted_iota(jnp.int32, (PR, PC), 1))
    io8 = (lax.broadcasted_iota(jnp.int32, (8, 128), 0) * 128
           + lax.broadcasted_iota(jnp.int32, (8, 128), 1))
    lane = lax.broadcasted_iota(jnp.int32, (1, PC), 1)

    dist_ref[...] = jnp.full((PR, PC), jnp.inf, dtype=jnp.float32)
    p0 = px_ref[0, 0]
    p1 = py_ref[0, 0]
    p2 = pz_ref[0, 0]
    sx_ref[...] = jnp.where(io8 == 0, p0, 0.0)
    sy_ref[...] = jnp.where(io8 == 0, p1, 0.0)
    sz_ref[...] = jnp.where(io8 == 0, p2, 0.0)

    def body(i, carry):
        q0, q1, q2 = carry
        dx = px - q0
        dy = py - q1
        dz = pz - q2
        d = (dx * dx + dy * dy) + dz * dz
        nd = jnp.minimum(dist_ref[...], d)
        dist_ref[...] = nd
        m = jnp.max(nd)
        idx = jnp.min(jnp.where(nd == m, fio, BIG))
        r = idx // PC
        c = idx % PC
        sel = lane == c
        n0 = jnp.max(jnp.where(sel, px_ref[pl.ds(r, 1), :], -jnp.inf))
        n1 = jnp.max(jnp.where(sel, py_ref[pl.ds(r, 1), :], -jnp.inf))
        n2 = jnp.max(jnp.where(sel, pz_ref[pl.ds(r, 1), :], -jnp.inf))
        hit = io8 == i
        sx_ref[...] = jnp.where(hit, n0, sx_ref[...])
        sy_ref[...] = jnp.where(hit, n1, sy_ref[...])
        sz_ref[...] = jnp.where(hit, n2, sz_ref[...])
        return (n0, n1, n2)

    lax.fori_loop(1, M, body, (p0, p1, p2))


def _fps(px, py, pz):
    return pl.pallas_call(
        _fps_body,
        out_shape=[jax.ShapeDtypeStruct((8, 128), jnp.float32)] * 3,
        scratch_shapes=[pltpu.VMEM((PR, PC), jnp.float32)],
    )(px, py, pz)


def _knn_body(s_ref, sb_ref, ptb_ref, pt_ref, nn_ref, d2_ref):
    s = s_ref[...]
    s0 = s[:, 0:1]
    s1 = s[:, 1:2]
    s2 = s[:, 2:3]
    ss = (s0 * s0 + s1 * s1) + s2 * s2
    p0 = pt_ref[0:1, :]
    p1 = pt_ref[1:2, :]
    p2 = pt_ref[2:3, :]
    sq = (p0 * p0 + p1 * p1) + p2 * p2
    sp = lax.dot_general(sb_ref[...], ptb_ref[...],
                         (((1,), (0,)), ((), ())),
                         preferred_element_type=jnp.float32)
    d2_ref[...] = (ss + sq) - 2.0 * sp

    col = lax.broadcasted_iota(jnp.int32, (128, N), 1)
    stepio = lax.broadcasted_iota(jnp.int32, (128, K), 1)

    def step(t, acc):
        d2 = d2_ref[...]
        v = jnp.min(d2, axis=1, keepdims=True)
        idx = jnp.min(jnp.where(d2 == v, col, BIG), axis=1, keepdims=True)
        d2_ref[...] = jnp.where(col == idx, jnp.inf, d2)
        return jnp.where(stepio == t, idx, acc)

    nn_ref[...] = lax.fori_loop(0, K, step, jnp.zeros((128, K), jnp.int32))


def _knn(samples, samples_bf, ptsT_bf, ptsT):
    return pl.pallas_call(
        _knn_body,
        grid=(8,),
        in_specs=[
            pl.BlockSpec((128, 3), lambda i: (i, 0)),
            pl.BlockSpec((128, 3), lambda i: (i, 0)),
            pl.BlockSpec((3, N), lambda i: (0, 0)),
            pl.BlockSpec((3, N), lambda i: (0, 0)),
        ],
        out_specs=pl.BlockSpec((128, K), lambda i: (i, 0)),
        out_shape=jax.ShapeDtypeStruct((M, K), jnp.int32),
        scratch_shapes=[pltpu.VMEM((128, N), jnp.float32)],
    )(samples, samples_bf, ptsT_bf, ptsT)


_SC_NC, _SC_NS = 2, 16
_SC_NW = _SC_NC * _SC_NS
_B = M * K
_BPW = _B // _SC_NW
_NCH, _CH = 8, 128


def _gather_kernel(table_hbm, idx_hbm, out_hbm, idx_v, buf0, buf1, sem0, sem1):
    wid = lax.axis_index("s") * _SC_NC + lax.axis_index("c")
    base = wid * _BPW
    pltpu.sync_copy(idx_hbm.at[wid], idx_v)
    bufs = (buf0, buf1)
    sems = (sem0, sem1)
    cps = [None, None]
    for j in range(_NCH):
        b = j % 2
        if cps[b] is not None:
            cps[b].wait()
            pltpu.sync_copy(bufs[b],
                            out_hbm.at[pl.ds(base + (j - 2) * _CH, _CH)])
        cps[b] = pltpu.async_copy(table_hbm.at[idx_v.at[j]], bufs[b], sems[b])
    for j in range(_NCH - 2, _NCH):
        b = j % 2
        cps[b].wait()
        pltpu.sync_copy(bufs[b], out_hbm.at[pl.ds(base + j * _CH, _CH)])


def _sc_gather(table_pad, idx3):
    mesh = plsc.VectorSubcoreMesh(core_axis_name="c", subcore_axis_name="s")
    f = functools.partial(
        pl.kernel, mesh=mesh,
        out_type=jax.ShapeDtypeStruct((_B, 128), jnp.float32),
        scratch_types=[
            pltpu.VMEM((_NCH, _CH), jnp.int32),
            pltpu.VMEM((_CH, 128), jnp.float32),
            pltpu.VMEM((_CH, 128), jnp.float32),
            pltpu.SemaphoreType.DMA,
            pltpu.SemaphoreType.DMA,
        ],
    )(_gather_kernel)
    return f(table_pad, idx3)


def _mlp_body(rad_ref, mid_ref, srep_ref,
              ew1, eb1, ew2, eb2, ew3, eb3,
              dw1, db1, dw2, db2, dw3, db3,
              out_ref):
    rel = (rad_ref[:, 0:3] - mid_ref[...]) / RADIUS

    def mm(a, w_ref):
        return lax.dot_general(a.astype(jnp.bfloat16),
                               w_ref[...].astype(jnp.bfloat16),
                               (((1,), (0,)), ((), ())),
                               preferred_element_type=jnp.float32)

    h = jax.nn.relu(mm(rel, ew1) + eb1[...])
    h = jax.nn.relu(mm(h, ew2) + eb2[...])
    h = mm(h, ew3) + eb3[...]
    pooled = jnp.max(h.reshape(128, K, F3), axis=1)
    d = jax.nn.relu(mm(pooled, dw1) + db1[...])
    d = jax.nn.relu(mm(d, dw2) + db2[...])
    d = mm(d, dw3) + db3[...]
    out_ref[...] = d * RADIUS + srep_ref[...]


def _mlp(rad, mids, srep48, ew1, eb1, ew2, eb2, ew3, eb3,
         dw1, db1, dw2, db2, dw3, db3):
    wspec = [
        pl.BlockSpec((3, F1), lambda i: (0, 0)),
        pl.BlockSpec((1, F1), lambda i: (0, 0)),
        pl.BlockSpec((F1, F2), lambda i: (0, 0)),
        pl.BlockSpec((1, F2), lambda i: (0, 0)),
        pl.BlockSpec((F2, F3), lambda i: (0, 0)),
        pl.BlockSpec((1, F3), lambda i: (0, 0)),
        pl.BlockSpec((F3, F2), lambda i: (0, 0)),
        pl.BlockSpec((1, F2), lambda i: (0, 0)),
        pl.BlockSpec((F2, F1), lambda i: (0, 0)),
        pl.BlockSpec((1, F1), lambda i: (0, 0)),
        pl.BlockSpec((F1, NB * 3), lambda i: (0, 0)),
        pl.BlockSpec((1, NB * 3), lambda i: (0, 0)),
    ]
    return pl.pallas_call(
        _mlp_body,
        grid=(8,),
        in_specs=[
            pl.BlockSpec((4096, 128), lambda i: (i, 0)),
            pl.BlockSpec((4096, 3), lambda i: (i, 0)),
            pl.BlockSpec((128, NB * 3), lambda i: (i, 0)),
        ] + wspec,
        out_specs=pl.BlockSpec((128, NB * 3), lambda i: (i, 0)),
        out_shape=jax.ShapeDtypeStruct((M, NB * 3), jnp.float32),
    )(rad, mids, srep48, ew1, eb1, ew2, eb2, ew3, eb3,
      dw1, db1, dw2, db2, dw3, db3)


def kernel(points, enc_w1, enc_b1, enc_w2, enc_b2, enc_w3, enc_b3,
           dec_w1, dec_b1, dec_w2, dec_b2, dec_w3, dec_b3):
    px = points[:, 0].reshape(PR, PC)
    py = points[:, 1].reshape(PR, PC)
    pz = points[:, 2].reshape(PR, PC)

    sx, sy, sz = _fps(px, py, pz)
    samples = jnp.stack(
        [sx.reshape(M), sy.reshape(M), sz.reshape(M)], axis=1)

    ptsT = points.T
    nn = _knn(samples, samples.astype(jnp.bfloat16),
              ptsT.astype(jnp.bfloat16), ptsT)

    table_pad = jnp.pad(points, ((0, 0), (0, 125)))
    idx3 = nn.reshape(_SC_NW, _NCH, _CH)
    rad = _sc_gather(table_pad, idx3)

    mids = jnp.repeat(samples, K, axis=0)
    srep48 = jnp.tile(samples, (1, NB))
    out48 = _mlp(rad, mids, srep48,
                 enc_w1, enc_b1.reshape(1, F1),
                 enc_w2, enc_b2.reshape(1, F2),
                 enc_w3, enc_b3.reshape(1, F3),
                 dec_w1, dec_b1.reshape(1, F2),
                 dec_w2, dec_b2.reshape(1, F1),
                 dec_w3, dec_b3.reshape(1, NB * 3))

    rad_points = rad[:, 0:3]
    rad_cluster = jnp.repeat(jnp.arange(M, dtype=jnp.int32), K)
    resized_deco = out48.reshape(M, NB, 3)
    return (rad_points, rad_cluster, resized_deco)

# --- scband reference (transcript-rebuilt; emitter-appended) ---
"""Pipeline reference for scband-simple-relative-layer-72035191488656 (READ-ONLY COPY).

The authoritative reference and input builder live on the scoring server;
editing this copy changes nothing except your own understanding.
"""

import jax, jax.numpy as jnp
import numpy as np

NB = 16
RADIUS = 0.22
MAX_NEIGHBORS = 32
F1, F2, F3 = 64, 128, 256
N_POINTS = 16384


def fps(points, num_samples):
    N = points.shape[0]
    inds = jnp.zeros((num_samples,), dtype=jnp.int32)
    dists = jnp.full((N,), jnp.inf, dtype=jnp.float32)

    def body(i, state):
        inds, dists = state
        last = inds[i - 1]
        d = jnp.sum((points - points[last]) ** 2, axis=1)
        dists = jnp.minimum(dists, d)
        nxt = jnp.argmax(dists).astype(jnp.int32)
        inds = inds.at[i].set(nxt)
        return (inds, dists)

    inds, _ = jax.lax.fori_loop(1, num_samples, body, (inds, dists))
    return inds


def setup_inputs(seed: int = 0) -> dict:
    key = jax.random.key(seed)
    ks = jax.random.split(key, 8)
    points = jax.random.uniform(ks[0], (N_POINTS, 3), dtype=jnp.float32)

    def w(k, shape):
        return jax.random.normal(k, shape, dtype=jnp.float32) * 0.1

    return {
        "points": points,
        "enc_w1": w(ks[1], (3, F1)), "enc_b1": jnp.zeros((F1,), jnp.float32),
        "enc_w2": w(ks[2], (F1, F2)), "enc_b2": jnp.zeros((F2,), jnp.float32),
        "enc_w3": w(ks[3], (F2, F3)), "enc_b3": jnp.zeros((F3,), jnp.float32),
        "dec_w1": w(ks[4], (F3, F2)), "dec_b1": jnp.zeros((F2,), jnp.float32),
        "dec_w2": w(ks[5], (F2, F1)), "dec_b2": jnp.zeros((F1,), jnp.float32),
        "dec_w3": w(ks[6], (F1, NB * 3)), "dec_b3": jnp.zeros((NB * 3,), jnp.float32),
    }


def reference(points, enc_w1, enc_b1, enc_w2, enc_b2, enc_w3, enc_b3,
              dec_w1, dec_b1, dec_w2, dec_b2, dec_w3, dec_b3):
    N = points.shape[0]
    M = N // NB  # ratio = 1 / nb_neighbours

    # fps(points, ratio=1/nb_neighbours)
    sample_inds = fps(points, M)
    samples = points[sample_inds]

    # gnn.radius(points, samples, r=radius) with max_num_neighbors=32:
    # take the 32 nearest points per sample (all within r given point density).
    d2 = (jnp.sum(samples ** 2, axis=1)[:, None]
          + jnp.sum(points ** 2, axis=1)[None, :]
          - 2.0 * samples @ points.T)  # [M, N]
    _, nn_idx = jax.lax.top_k(-d2, MAX_NEIGHBORS)  # [M, K]
    rad_inds = nn_idx.reshape(-1)                               # [M*K]
    rad_cluster = jnp.repeat(jnp.arange(M), MAX_NEIGHBORS)      # [M*K]

    rad_points = points[rad_inds]
    midpoints = samples[rad_cluster]
    relative = (rad_points - midpoints) / RADIUS

    # RelativeAutoEncoder: per-point encoder MLP, per-cluster max pool (mean=False),
    # decoder MLP emitting nb_neighbours * 3 relative coordinates per cluster.
    h = jax.nn.relu(relative @ enc_w1 + enc_b1)
    h = jax.nn.relu(h @ enc_w2 + enc_b2)
    h = h @ enc_w3 + enc_b3
    pooled = jax.ops.segment_max(h, rad_cluster, num_segments=M)  # [M, F3]
    d = jax.nn.relu(pooled @ dec_w1 + dec_b1)
    d = jax.nn.relu(d @ dec_w2 + dec_b2)
    d = d @ dec_w3 + dec_b3                                       # [M, NB*3]
    relative_out = d.reshape(-1, 3)                               # [M*NB, 3]

    range_inds = jnp.repeat(jnp.arange(M), NB)
    midpoints_out = samples[range_inds]
    dec_abs = relative_out * RADIUS + midpoints_out
    resized_deco = dec_abs.reshape(-1, NB, 3)
    return (rad_points, rad_cluster, resized_deco)

if __name__ == "__main__":
    import jax
    _d = setup_inputs()
    print(jax.jit(kernel)(*tuple(_d.values())))

</pallas_src>

<mosaic_0001>
#map = affine_map<(d0, d1) -> (0, 0)>
#map1 = affine_map<(d0, d1) -> (0, 0, 0)>
module attributes {stable_mosaic.version = 14 : i64} {
  func.func @_gather_kernel(%arg0: i32, %arg1: i32, %arg2: memref<16384x128xf32, #tpu.memory_space<hbm>>, %arg3: memref<32x8x128xi32, #tpu.memory_space<hbm>>, %arg4: memref<32768x128xf32, #tpu.memory_space<hbm>>, %arg5: memref<8x128xi32, #tpu.memory_space<vmem>>, %arg6: memref<128x128xf32, #tpu.memory_space<vmem>>, %arg7: memref<128x128xf32, #tpu.memory_space<vmem>>, %arg8: memref<!tpu.dma_semaphore, #tpu.memory_space<semaphore_mem>>, %arg9: memref<!tpu.dma_semaphore, #tpu.memory_space<semaphore_mem>>) attributes {dimension_semantics = [#tpu.dimension_semantics<core_parallel>, #tpu.dimension_semantics<subcore_parallel>], iteration_bounds = array<i64: 2, 16>, scalar_prefetch = 0 : i64, scratch_operands = 5 : i64, tpu.core_type = #tpu.core_type<sc_vector_subcore>, window_params = [{transform_indices = #map}, {transform_indices = #map1}, {transform_indices = #map}]} {
    %mul3A = arith.constant 2 : i32
    %mul3A_0 = arith.muli %arg1, %mul3A : i32
    %add3A = arith.addi %mul3A_0, %arg0 : i32
    %mul3A_1 = arith.constant 1024 : i32
    %mul3A_2 = arith.muli %add3A, %mul3A_1 : i32
    "tpu.region"() ({
      %run_scoped3A = tpu.sem_alloc : memref<!tpu.dma_semaphore, #tpu.memory_space<semaphore_mem>>
      %dma_start3A_129 = arith.constant 0 : i32
      %dma_start3A_130 = arith.constant 0 : i32
      %dma_start3A_131 = tpu.memref_slice %arg3[%add3A, %dma_start3A_129, %dma_start3A_130] : memref<32x8x128xi32, #tpu.memory_space<hbm>> -> memref<1x8x128xi32, #tpu.memory_space<hbm>>
      %dma_start3A_132 = tpu.memref_squeeze %dma_start3A_131 : memref<1x8x128xi32, #tpu.memory_space<hbm>> -> memref<8x128xi32, #tpu.memory_space<hbm>>
      %dma_start3A_133 = arith.constant 0 : i32
      %dma_start3A_134 = arith.constant 0 : i32
      %dma_start3A_135 = tpu.memref_slice %arg3[%add3A, %dma_start3A_133, %dma_start3A_134] : memref<32x8x128xi32, #tpu.memory_space<hbm>> -> memref<1x8x128xi32, #tpu.memory_space<hbm>>
      %dma_start3A_136 = tpu.memref_squeeze %dma_start3A_135 : memref<1x8x128xi32, #tpu.memory_space<hbm>> -> memref<8x128xi32, #tpu.memory_space<hbm>>
      tpu.enqueue_dma source(%dma_start3A_136 : memref<8x128xi32, #tpu.memory_space<hbm>>) target(%arg5 : memref<8x128xi32, #tpu.memory_space<vmem>>) target_semaphore(%run_scoped3A : memref<!tpu.dma_semaphore, #tpu.memory_space<semaphore_mem>>)
      %dma_wait3A_137 = arith.constant 0 : i32
      %dma_wait3A_138 = arith.constant 0 : i32
      %dma_wait3A_139 = tpu.memref_slice %arg3[%add3A, %dma_wait3A_137, %dma_wait3A_138] : memref<32x8x128xi32, #tpu.memory_space<hbm>> -> memref<1x8x128xi32, #tpu.memory_space<hbm>>
      %dma_wait3A_140 = tpu.memref_squeeze %dma_wait3A_139 : memref<1x8x128xi32, #tpu.memory_space<hbm>> -> memref<8x128xi32, #tpu.memory_space<hbm>>
      %dma_wait3A_141 = arith.constant 0 : i32
      %dma_wait3A_142 = arith.constant 0 : i32
      %dma_wait3A_143 = tpu.memref_slice %arg3[%add3A, %dma_wait3A_141, %dma_wait3A_142] : memref<32x8x128xi32, #tpu.memory_space<hbm>> -> memref<1x8x128xi32, #tpu.memory_space<hbm>>
      %dma_wait3A_144 = tpu.memref_squeeze %dma_wait3A_143 : memref<1x8x128xi32, #tpu.memory_space<hbm>> -> memref<8x128xi32, #tpu.memory_space<hbm>>
      tpu.wait_dma2 semaphore(%run_scoped3A : memref<!tpu.dma_semaphore, #tpu.memory_space<semaphore_mem>>) src(%dma_wait3A_144 : memref<8x128xi32, #tpu.memory_space<hbm>>) dst(%arg5 : memref<8x128xi32, #tpu.memory_space<vmem>>)
      tpu.yield
    }) : () -> ()
    %dma_start3A = arith.constant 0 : i32
    %dma_start3A_3 = arith.constant 0 : i32
    %dma_start3A_4 = tpu.memref_slice %arg5[%dma_start3A, %dma_start3A_3] : memref<8x128xi32, #tpu.memory_space<vmem>> -> memref<1x128xi32, #tpu.memory_space<vmem>>
    %dma_start3A_5 = tpu.memref_squeeze %dma_start3A_4 : memref<1x128xi32, #tpu.memory_space<vmem>> -> memref<128xi32, #tpu.memory_space<vmem>>
    %dma_start3A_6 = arith.constant 0 : i32
    %dma_start3A_7 = arith.constant 0 : i32
    %dma_start3A_8 = tpu.memref_slice %arg2[%dma_start3A_6, %dma_start3A_7] : memref<16384x128xf32, #tpu.memory_space<hbm>> -> memref<16384x128xf32, #tpu.memory_space<hbm>>
    tpu.enqueue_indirect_dma source(%dma_start3A_8 : memref<16384x128xf32, #tpu.memory_space<hbm>>) target(%arg6 : memref<128x128xf32, #tpu.memory_space<vmem>>) offsets(%dma_start3A_5 : memref<128xi32, #tpu.memory_space<vmem>>) semaphore(%arg8 : memref<!tpu.dma_semaphore, #tpu.memory_space<semaphore_mem>>)
    %dma_start3A_9 = arith.constant 1 : i32
    %dma_start3A_10 = arith.constant 0 : i32
    %dma_start3A_11 = tpu.memref_slice %arg5[%dma_start3A_9, %dma_start3A_10] : memref<8x128xi32, #tpu.memory_space<vmem>> -> memref<1x128xi32, #tpu.memory_space<vmem>>
    %dma_start3A_12 = tpu.memref_squeeze %dma_start3A_11 : memref<1x128xi32, #tpu.memory_space<vmem>> -> memref<128xi32, #tpu.memory_space<vmem>>
    %dma_start3A_13 = arith.constant 0 : i32
    %dma_start3A_14 = arith.constant 0 : i32
    %dma_start3A_15 = tpu.memref_slice %arg2[%dma_start3A_13, %dma_start3A_14] : memref<16384x128xf32, #tpu.memory_space<hbm>> -> memref<16384x128xf32, #tpu.memory_space<hbm>>
    tpu.enqueue_indirect_dma source(%dma_start3A_15 : memref<16384x128xf32, #tpu.memory_space<hbm>>) target(%arg7 : memref<128x128xf32, #tpu.memory_space<vmem>>) offsets(%dma_start3A_12 : memref<128xi32, #tpu.memory_space<vmem>>) semaphore(%arg9 : memref<!tpu.dma_semaphore, #tpu.memory_space<semaphore_mem>>)
    %dma_wait3A = arith.constant 0 : i32
    %dma_wait3A_16 = arith.constant 0 : i32
    %dma_wait3A_17 = tpu.memref_slice %arg5[%dma_wait3A, %dma_wait3A_16] : memref<8x128xi32, #tpu.memory_space<vmem>> -> memref<1x128xi32, #tpu.memory_space<vmem>>
    %dma_wait3A_18 = tpu.memref_squeeze %dma_wait3A_17 : memref<1x128xi32, #tpu.memory_space<vmem>> -> memref<128xi32, #tpu.memory_space<vmem>>
    %dma_wait3A_19 = arith.constant 0 : i32
    %dma_wait3A_20 = arith.constant 0 : i32
    %dma_wait3A_21 = tpu.memref_slice %arg2[%dma_wait3A_19, %dma_wait3A_20] : memref<16384x128xf32, #tpu.memory_space<hbm>> -> memref<16384x128xf32, #tpu.memory_space<hbm>>
    tpu.wait_indirect_dma semaphore(%arg8 : memref<!tpu.dma_semaphore, #tpu.memory_space<semaphore_mem>>) src(%dma_wait3A_21 : memref<16384x128xf32, #tpu.memory_space<hbm>>) dst(%arg6 : memref<128x128xf32, #tpu.memory_space<vmem>>)
    %add3A_22 = arith.constant 0 : i32
    %add3A_23 = arith.addi %mul3A_2, %add3A_22 : i32
    "tpu.region"() ({
      %run_scoped3A = tpu.sem_alloc : memref<!tpu.dma_semaphore, #tpu.memory_space<semaphore_mem>>
      %dma_start3A_129 = arith.constant 0 : i32
      %dma_start3A_130 = tpu.memref_slice %arg4[%add3A_23, %dma_start3A_129] : memref<32768x128xf32, #tpu.memory_space<hbm>> -> memref<128x128xf32, #tpu.memory_space<hbm>>
      %dma_start3A_131 = arith.constant 0 : i32
      %dma_start3A_132 = tpu.memref_slice %arg4[%add3A_23, %dma_start3A_131] : memref<32768x128xf32, #tpu.memory_space<hbm>> -> memref<128x128xf32, #tpu.memory_space<hbm>>
      tpu.enqueue_dma source(%arg6 : memref<128x128xf32, #tpu.memory_space<vmem>>) target(%dma_start3A_132 : memref<128x128xf32, #tpu.memory_space<hbm>>) target_semaphore(%run_scoped3A : memref<!tpu.dma_semaphore, #tpu.memory_space<semaphore_mem>>)
      %dma_wait3A_133 = arith.constant 0 : i32
      %dma_wait3A_134 = tpu.memref_slice %arg4[%add3A_23, %dma_wait3A_133] : memref<32768x128xf32, #tpu.memory_space<hbm>> -> memref<128x128xf32, #tpu.memory_space<hbm>>
      %dma_wait3A_135 = arith.constant 0 : i32
      %dma_wait3A_136 = tpu.memref_slice %arg4[%add3A_23, %dma_wait3A_135] : memref<32768x128xf32, #tpu.memory_space<hbm>> -> memref<128x128xf32, #tpu.memory_space<hbm>>
      tpu.wait_dma2 semaphore(%run_scoped3A : memref<!tpu.dma_semaphore, #tpu.memory_space<semaphore_mem>>) src(%arg6 : memref<128x128xf32, #tpu.memory_space<vmem>>) dst(%dma_wait3A_136 : memref<128x128xf32, #tpu.memory_space<hbm>>)
      tpu.yield
    }) : () -> ()
    %dma_start3A_24 = arith.constant 2 : i32
    %dma_start3A_25 = arith.constant 0 : i32
    %dma_start3A_26 = tpu.memref_slice %arg5[%dma_start3A_24, %dma_start3A_25] : memref<8x128xi32, #tpu.memory_space<vmem>> -> memref<1x128xi32, #tpu.memory_space<vmem>>
    %dma_start3A_27 = tpu.memref_squeeze %dma_start3A_26 : memref<1x128xi32, #tpu.memory_space<vmem>> -> memref<128xi32, #tpu.memory_space<vmem>>
    %dma_start3A_28 = arith.constant 0 : i32
    %dma_start3A_29 = arith.constant 0 : i32
    %dma_start3A_30 = tpu.memref_slice %arg2[%dma_start3A_28, %dma_start3A_29] : memref<16384x128xf32, #tpu.memory_space<hbm>> -> memref<16384x128xf32, #tpu.memory_space<hbm>>
    tpu.enqueue_indirect_dma source(%dma_start3A_30 : memref<16384x128xf32, #tpu.memory_space<hbm>>) target(%arg6 : memref<128x128xf32, #tpu.memory_space<vmem>>) offsets(%dma_start3A_27 : memref<128xi32, #tpu.memory_space<vmem>>) semaphore(%arg8 : memref<!tpu.dma_semaphore, #tpu.memory_space<semaphore_mem>>)
    %dma_wait3A_31 = arith.constant 1 : i32
    %dma_wait3A_32 = arith.constant 0 : i32
    %dma_wait3A_33 = tpu.memref_slice %arg5[%dma_wait3A_31, %dma_wait3A_32] : memref<8x128xi32, #tpu.memory_space<vmem>> -> memref<1x128xi32, #tpu.memory_space<vmem>>
    %dma_wait3A_34 = tpu.memref_squeeze %dma_wait3A_33 : memref<1x128xi32, #tpu.memory_space<vmem>> -> memref<128xi32, #tpu.memory_space<vmem>>
    %dma_wait3A_35 = arith.constant 0 : i32
    %dma_wait3A_36 = arith.constant 0 : i32
    %dma_wait3A_37 = tpu.memref_slice %arg2[%dma_wait3A_35, %dma_wait3A_36] : memref<16384x128xf32, #tpu.memory_space<hbm>> -> memref<16384x128xf32, #tpu.memory_space<hbm>>
    tpu.wait_indirect_dma semaphore(%arg9 : memref<!tpu.dma_semaphore, #tpu.memory_space<semaphore_mem>>) src(%dma_wait3A_37 : memref<16384x128xf32, #tpu.memory_space<hbm>>) dst(%arg7 : memref<128x128xf32, #tpu.memory_space<vmem>>)
    %add3A_38 = arith.constant 128 : i32
    %add3A_39 = arith.addi %mul3A_2, %add3A_38 : i32
    "tpu.region"() ({
      %run_scoped3A = tpu.sem_alloc : memref<!tpu.dma_semaphore, #tpu.memory_space<semaphore_mem>>
      %dma_start3A_129 = arith.constant 0 : i32
      %dma_start3A_130 = tpu.memref_slice %arg4[%add3A_39, %dma_start3A_129] : memref<32768x128xf32, #tpu.memory_space<hbm>> -> memref<128x128xf32, #tpu.memory_space<hbm>>
      %dma_start3A_131 = arith.constant 0 : i32
      %dma_start3A_132 = tpu.memref_slice %arg4[%add3A_39, %dma_start3A_131] : memref<32768x128xf32, #tpu.memory_space<hbm>> -> memref<128x128xf32, #tpu.memory_space<hbm>>
      tpu.enqueue_dma source(%arg7 : memref<128x128xf32, #tpu.memory_space<vmem>>) target(%dma_start3A_132 : memref<128x128xf32, #tpu.memory_space<hbm>>) target_semaphore(%run_scoped3A : memref<!tpu.dma_semaphore, #tpu.memory_space<semaphore_mem>>)
      %dma_wait3A_133 = arith.constant 0 : i32
      %dma_wait3A_134 = tpu.memref_slice %arg4[%add3A_39, %dma_wait3A_133] : memref<32768x128xf32, #tpu.memory_space<hbm>> -> memref<128x128xf32, #tpu.memory_space<hbm>>
      %dma_wait3A_135 = arith.constant 0 : i32
      %dma_wait3A_136 = tpu.memref_slice %arg4[%add3A_39, %dma_wait3A_135] : memref<32768x128xf32, #tpu.memory_space<hbm>> -> memref<128x128xf32, #tpu.memory_space<hbm>>
      tpu.wait_dma2 semaphore(%run_scoped3A : memref<!tpu.dma_semaphore, #tpu.memory_space<semaphore_mem>>) src(%arg7 : memref<128x128xf32, #tpu.memory_space<vmem>>) dst(%dma_wait3A_136 : memref<128x128xf32, #tpu.memory_space<hbm>>)
      tpu.yield
    }) : () -> ()
    %dma_start3A_40 = arith.constant 3 : i32
    %dma_start3A_41 = arith.constant 0 : i32
    %dma_start3A_42 = tpu.memref_slice %arg5[%dma_start3A_40, %dma_start3A_41] : memref<8x128xi32, #tpu.memory_space<vmem>> -> memref<1x128xi32, #tpu.memory_space<vmem>>
    %dma_start3A_43 = tpu.memref_squeeze %dma_start3A_42 : memref<1x128xi32, #tpu.memory_space<vmem>> -> memref<128xi32, #tpu.memory_space<vmem>>
    %dma_start3A_44 = arith.constant 0 : i32
    %dma_start3A_45 = arith.constant 0 : i32
    %dma_start3A_46 = tpu.memref_slice %arg2[%dma_start3A_44, %dma_start3A_45] : memref<16384x128xf32, #tpu.memory_space<hbm>> -> memref<16384x128xf32, #tpu.memory_space<hbm>>
    tpu.enqueue_indirect_dma source(%dma_start3A_46 : memref<16384x128xf32, #tpu.memory_space<hbm>>) target(%arg7 : memref<128x128xf32, #tpu.memory_space<vmem>>) offsets(%dma_start3A_43 : memref<128xi32, #tpu.memory_space<vmem>>) semaphore(%arg9 : memref<!tpu.dma_semaphore, #tpu.memory_space<semaphore_mem>>)
    %dma_wait3A_47 = arith.constant 2 : i32
    %dma_wait3A_48 = arith.constant 0 : i32
    %dma_wait3A_49 = tpu.memref_slice %arg5[%dma_wait3A_47, %dma_wait3A_48] : memref<8x128xi32, #tpu.memory_space<vmem>> -> memref<1x128xi32, #tpu.memory_space<vmem>>
    %dma_wait3A_50 = tpu.memref_squeeze %dma_wait3A_49 : memref<1x128xi32, #tpu.memory_space<vmem>> -> memref<128xi32, #tpu.memory_space<vmem>>
    %dma_wait3A_51 = arith.constant 0 : i32
    %dma_wait3A_52 = arith.constant 0 : i32
    %dma_wait3A_53 = tpu.memref_slice %arg2[%dma_wait3A_51, %dma_wait3A_52] : memref<16384x128xf32, #tpu.memory_space<hbm>> -> memref<16384x128xf32, #tpu.memory_space<hbm>>
    tpu.wait_indirect_dma semaphore(%arg8 : memref<!tpu.dma_semaphore, #tpu.memory_space<semaphore_mem>>) src(%dma_wait3A_53 : memref<16384x128xf32, #tpu.memory_space<hbm>>) dst(%arg6 : memref<128x128xf32, #tpu.memory_space<vmem>>)
    %add3A_54 = arith.constant 256 : i32
    %add3A_55 = arith.addi %mul3A_2, %add3A_54 : i32
    "tpu.region"() ({
      %run_scoped3A = tpu.sem_alloc : memref<!tpu.dma_semaphore, #tpu.memory_space<semaphore_mem>>
      %dma_start3A_129 = arith.constant 0 : i32
      %dma_start3A_130 = tpu.memref_slice %arg4[%add3A_55, %dma_start3A_129] : memref<32768x128xf32, #tpu.memory_space<hbm>> -> memref<128x128xf32, #tpu.memory_space<hbm>>
      %dma_start3A_131 = arith.constant 0 : i32
      %dma_start3A_132 = tpu.memref_slice %arg4[%add3A_55, %dma_start3A_131] : memref<32768x128xf32, #tpu.memory_space<hbm>> -> memref<128x128xf32, #tpu.memory_space<hbm>>
      tpu.enqueue_dma source(%arg6 : memref<128x128xf32, #tpu.memory_space<vmem>>) target(%dma_start3A_132 : memref<128x128xf32, #tpu.memory_space<hbm>>) target_semaphore(%run_scoped3A : memref<!tpu.dma_semaphore, #tpu.memory_space<semaphore_mem>>)
      %dma_wait3A_133 = arith.constant 0 : i32
      %dma_wait3A_134 = tpu.memref_slice %arg4[%add3A_55, %dma_wait3A_133] : memref<32768x128xf32, #tpu.memory_space<hbm>> -> memref<128x128xf32, #tpu.memory_space<hbm>>
      %dma_wait3A_135 = arith.constant 0 : i32
      %dma_wait3A_136 = tpu.memref_slice %arg4[%add3A_55, %dma_wait3A_135] : memref<32768x128xf32, #tpu.memory_space<hbm>> -> memref<128x128xf32, #tpu.memory_space<hbm>>
      tpu.wait_dma2 semaphore(%run_scoped3A : memref<!tpu.dma_semaphore, #tpu.memory_space<semaphore_mem>>) src(%arg6 : memref<128x128xf32, #tpu.memory_space<vmem>>) dst(%dma_wait3A_136 : memref<128x128xf32, #tpu.memory_space<hbm>>)
      tpu.yield
    }) : () -> ()
    %dma_start3A_56 = arith.constant 4 : i32
    %dma_start3A_57 = arith.constant 0 : i32
    %dma_start3A_58 = tpu.memref_slice %arg5[%dma_start3A_56, %dma_start3A_57] : memref<8x128xi32, #tpu.memory_space<vmem>> -> memref<1x128xi32, #tpu.memory_space<vmem>>
    %dma_start3A_59 = tpu.memref_squeeze %dma_start3A_58 : memref<1x128xi32, #tpu.memory_space<vmem>> -> memref<128xi32, #tpu.memory_space<vmem>>
    %dma_start3A_60 = arith.constant 0 : i32
    %dma_start3A_61 = arith.constant 0 : i32
    %dma_start3A_62 = tpu.memref_slice %arg2[%dma_start3A_60, %dma_start3A_61] : memref<16384x128xf32, #tpu.memory_space<hbm>> -> memref<16384x128xf32, #tpu.memory_space<hbm>>
    tpu.enqueue_indirect_dma source(%dma_start3A_62 : memref<16384x128xf32, #tpu.memory_space<hbm>>) target(%arg6 : memref<128x128xf32, #tpu.memory_space<vmem>>) offsets(%dma_start3A_59 : memref<128xi32, #tpu.memory_space<vmem>>) semaphore(%arg8 : memref<!tpu.dma_semaphore, #tpu.memory_space<semaphore_mem>>)
    %dma_wait3A_63 = arith.constant 3 : i32
    %dma_wait3A_64 = arith.constant 0 : i32
    %dma_wait3A_65 = tpu.memref_slice %arg5[%dma_wait3A_63, %dma_wait3A_64] : memref<8x128xi32, #tpu.memory_space<vmem>> -> memref<1x128xi32, #tpu.memory_space<vmem>>
    %dma_wait3A_66 = tpu.memref_squeeze %dma_wait3A_65 : memref<1x128xi32, #tpu.memory_space<vmem>> -> memref<128xi32, #tpu.memory_space<vmem>>
    %dma_wait3A_67 = arith.constant 0 : i32
    %dma_wait3A_68 = arith.constant 0 : i32
    %dma_wait3A_69 = tpu.memref_slice %arg2[%dma_wait3A_67, %dma_wait3A_68] : memref<16384x128xf32, #tpu.memory_space<hbm>> -> memref<16384x128xf32, #tpu.memory_space<hbm>>
    tpu.wait_indirect_dma semaphore(%arg9 : memref<!tpu.dma_semaphore, #tpu.memory_space<semaphore_mem>>) src(%dma_wait3A_69 : memref<16384x128xf32, #tpu.memory_space<hbm>>) dst(%arg7 : memref<128x128xf32, #tpu.memory_space<vmem>>)
    %add3A_70 = arith.constant 384 : i32
    %add3A_71 = arith.addi %mul3A_2, %add3A_70 : i32
    "tpu.region"() ({
      %run_scoped3A = tpu.sem_alloc : memref<!tpu.dma_semaphore, #tpu.memory_space<semaphore_mem>>
      %dma_start3A_129 = arith.constant 0 : i32
      %dma_start3A_130 = tpu.memref_slice %arg4[%add3A_71, %dma_start3A_129] : memref<32768x128xf32, #tpu.memory_space<hbm>> -> memref<128x128xf32, #tpu.memory_space<hbm>>
      %dma_start3A_131 = arith.constant 0 : i32
      %dma_start3A_132 = tpu.memref_slice %arg4[%add3A_71, %dma_start3A_131] : memref<32768x128xf32, #tpu.memory_space<hbm>> -> memref<128x128xf32, #tpu.memory_space<hbm>>
      tpu.enqueue_dma source(%arg7 : memref<128x128xf32, #tpu.memory_space<vmem>>) target(%dma_start3A_132 : memref<128x128xf32, #tpu.memory_space<hbm>>) target_semaphore(%run_scoped3A : memref<!tpu.dma_semaphore, #tpu.memory_space<semaphore_mem>>)
      %dma_wait3A_133 = arith.constant 0 : i32
      %dma_wait3A_134 = tpu.memref_slice %arg4[%add3A_71, %dma_wait3A_133] : memref<32768x128xf32, #tpu.memory_space<hbm>> -> memref<128x128xf32, #tpu.memory_space<hbm>>
      %dma_wait3A_135 = arith.constant 0 : i32
      %dma_wait3A_136 = tpu.memref_slice %arg4[%add3A_71, %dma_wait3A_135] : memref<32768x128xf32, #tpu.memory_space<hbm>> -> memref<128x128xf32, #tpu.memory_space<hbm>>
      tpu.wait_dma2 semaphore(%run_scoped3A : memref<!tpu.dma_semaphore, #tpu.memory_space<semaphore_mem>>) src(%arg7 : memref<128x128xf32, #tpu.memory_space<vmem>>) dst(%dma_wait3A_136 : memref<128x128xf32, #tpu.memory_space<hbm>>)
      tpu.yield
    }) : () -> ()
    %dma_start3A_72 = arith.constant 5 : i32
    %dma_start3A_73 = arith.constant 0 : i32
    %dma_start3A_74 = tpu.memref_slice %arg5[%dma_start3A_72, %dma_start3A_73] : memref<8x128xi32, #tpu.memory_space<vmem>> -> memref<1x128xi32, #tpu.memory_space<vmem>>
    %dma_start3A_75 = tpu.memref_squeeze %dma_start3A_74 : memref<1x128xi32, #tpu.memory_space<vmem>> -> memref<128xi32, #tpu.memory_space<vmem>>
    %dma_start3A_76 = arith.constant 0 : i32
    %dma_start3A_77 = arith.constant 0 : i32
    %dma_start3A_78 = tpu.memref_slice %arg2[%dma_start3A_76, %dma_start3A_77] : memref<16384x128xf32, #tpu.memory_space<hbm>> -> memref<16384x128xf32, #tpu.memory_space<hbm>>
    tpu.enqueue_indirect_dma source(%dma_start3A_78 : memref<16384x128xf32, #tpu.memory_space<hbm>>) target(%arg7 : memref<128x128xf32, #tpu.memory_space<vmem>>) offsets(%dma_start3A_75 : memref<128xi32, #tpu.memory_space<vmem>>) semaphore(%arg9 : memref<!tpu.dma_semaphore, #tpu.memory_space<semaphore_mem>>)
    %dma_wait3A_79 = arith.constant 4 : i32
    %dma_wait3A_80 = arith.constant 0 : i32
    %dma_wait3A_81 = tpu.memref_slice %arg5[%dma_wait3A_79, %dma_wait3A_80] : memref<8x128xi32, #tpu.memory_space<vmem>> -> memref<1x128xi32, #tpu.memory_space<vmem>>
    %dma_wait3A_82 = tpu.memref_squeeze %dma_wait3A_81 : memref<1x128xi32, #tpu.memory_space<vmem>> -> memref<128xi32, #tpu.memory_space<vmem>>
    %dma_wait3A_83 = arith.constant 0 : i32
    %dma_wait3A_84 = arith.constant 0 : i32
    %dma_wait3A_85 = tpu.memref_slice %arg2[%dma_wait3A_83, %dma_wait3A_84] : memref<16384x128xf32, #tpu.memory_space<hbm>> -> memref<16384x128xf32, #tpu.memory_space<hbm>>
    tpu.wait_indirect_dma semaphore(%arg8 : memref<!tpu.dma_semaphore, #tpu.memory_space<semaphore_mem>>) src(%dma_wait3A_85 : memref<16384x128xf32, #tpu.memory_space<hbm>>) dst(%arg6 : memref<128x128xf32, #tpu.memory_space<vmem>>)
    %add3A_86 = arith.constant 512 : i32
    %add3A_87 = arith.addi %mul3A_2, %add3A_86 : i32
    "tpu.region"() ({
      %run_scoped3A = tpu.sem_alloc : memref<!tpu.dma_semaphore, #tpu.memory_space<semaphore_mem>>
      %dma_start3A_129 = arith.constant 0 : i32
      %dma_start3A_130 = tpu.memref_slice %arg4[%add3A_87, %dma_start3A_129] : memref<32768x128xf32, #tpu.memory_space<hbm>> -> memref<128x128xf32, #tpu.memory_space<hbm>>
      %dma_start3A_131 = arith.constant 0 : i32
      %dma_start3A_132 = tpu.memref_slice %arg4[%add3A_87, %dma_start3A_131] : memref<32768x128xf32, #tpu.memory_space<hbm>> -> memref<128x128xf32, #tpu.memory_space<hbm>>
      tpu.enqueue_dma source(%arg6 : memref<128x128xf32, #tpu.memory_space<vmem>>) target(%dma_start3A_132 : memref<128x128xf32, #tpu.memory_space<hbm>>) target_semaphore(%run_scoped3A : memref<!tpu.dma_semaphore, #tpu.memory_space<semaphore_mem>>)
      %dma_wait3A_133 = arith.constant 0 : i32
      %dma_wait3A_134 = tpu.memref_slice %arg4[%add3A_87, %dma_wait3A_133] : memref<32768x128xf32, #tpu.memory_space<hbm>> -> memref<128x128xf32, #tpu.memory_space<hbm>>
      %dma_wait3A_135 = arith.constant 0 : i32
      %dma_wait3A_136 = tpu.memref_slice %arg4[%add3A_87, %dma_wait3A_135] : memref<32768x128xf32, #tpu.memory_space<hbm>> -> memref<128x128xf32, #tpu.memory_space<hbm>>
      tpu.wait_dma2 semaphore(%run_scoped3A : memref<!tpu.dma_semaphore, #tpu.memory_space<semaphore_mem>>) src(%arg6 : memref<128x128xf32, #tpu.memory_space<vmem>>) dst(%dma_wait3A_136 : memref<128x128xf32, #tpu.memory_space<hbm>>)
      tpu.yield
    }) : () -> ()
    %dma_start3A_88 = arith.constant 6 : i32
    %dma_start3A_89 = arith.constant 0 : i32
    %dma_start3A_90 = tpu.memref_slice %arg5[%dma_start3A_88, %dma_start3A_89] : memref<8x128xi32, #tpu.memory_space<vmem>> -> memref<1x128xi32, #tpu.memory_space<vmem>>
    %dma_start3A_91 = tpu.memref_squeeze %dma_start3A_90 : memref<1x128xi32, #tpu.memory_space<vmem>> -> memref<128xi32, #tpu.memory_space<vmem>>
    %dma_start3A_92 = arith.constant 0 : i32
    %dma_start3A_93 = arith.constant 0 : i32
    %dma_start3A_94 = tpu.memref_slice %arg2[%dma_start3A_92, %dma_start3A_93] : memref<16384x128xf32, #tpu.memory_space<hbm>> -> memref<16384x128xf32, #tpu.memory_space<hbm>>
    tpu.enqueue_indirect_dma source(%dma_start3A_94 : memref<16384x128xf32, #tpu.memory_space<hbm>>) target(%arg6 : memref<128x128xf32, #tpu.memory_space<vmem>>) offsets(%dma_start3A_91 : memref<128xi32, #tpu.memory_space<vmem>>) semaphore(%arg8 : memref<!tpu.dma_semaphore, #tpu.memory_space<semaphore_mem>>)
    %dma_wait3A_95 = arith.constant 5 : i32
    %dma_wait3A_96 = arith.constant 0 : i32
    %dma_wait3A_97 = tpu.memref_slice %arg5[%dma_wait3A_95, %dma_wait3A_96] : memref<8x128xi32, #tpu.memory_space<vmem>> -> memref<1x128xi32, #tpu.memory_space<vmem>>
    %dma_wait3A_98 = tpu.memref_squeeze %dma_wait3A_97 : memref<1x128xi32, #tpu.memory_space<vmem>> -> memref<128xi32, #tpu.memory_space<vmem>>
    %dma_wait3A_99 = arith.constant 0 : i32
    %dma_wait3A_100 = arith.constant 0 : i32
    %dma_wait3A_101 = tpu.memref_slice %arg2[%dma_wait3A_99, %dma_wait3A_100] : memref<16384x128xf32, #tpu.memory_space<hbm>> -> memref<16384x128xf32, #tpu.memory_space<hbm>>
    tpu.wait_indirect_dma semaphore(%arg9 : memref<!tpu.dma_semaphore, #tpu.memory_space<semaphore_mem>>) src(%dma_wait3A_101 : memref<16384x128xf32, #tpu.memory_space<hbm>>) dst(%arg7 : memref<128x128xf32, #tpu.memory_space<vmem>>)
    %add3A_102 = arith.constant 640 : i32
    %add3A_103 = arith.addi %mul3A_2, %add3A_102 : i32
    "tpu.region"() ({
      %run_scoped3A = tpu.sem_alloc : memref<!tpu.dma_semaphore, #tpu.memory_space<semaphore_mem>>
      %dma_start3A_129 = arith.constant 0 : i32
      %dma_start3A_130 = tpu.memref_slice %arg4[%add3A_103, %dma_start3A_129] : memref<32768x128xf32, #tpu.memory_space<hbm>> -> memref<128x128xf32, #tpu.memory_space<hbm>>
      %dma_start3A_131 = arith.constant 0 : i32
      %dma_start3A_132 = tpu.memref_slice %arg4[%add3A_103, %dma_start3A_131] : memref<32768x128xf32, #tpu.memory_space<hbm>> -> memref<128x128xf32, #tpu.memory_space<hbm>>
      tpu.enqueue_dma source(%arg7 : memref<128x128xf32, #tpu.memory_space<vmem>>) target(%dma_start3A_132 : memref<128x128xf32, #tpu.memory_space<hbm>>) target_semaphore(%run_scoped3A : memref<!tpu.dma_semaphore, #tpu.memory_space<semaphore_mem>>)
      %dma_wait3A_133 = arith.constant 0 : i32
      %dma_wait3A_134 = tpu.memref_slice %arg4[%add3A_103, %dma_wait3A_133] : memref<32768x128xf32, #tpu.memory_space<hbm>> -> memref<128x128xf32, #tpu.memory_space<hbm>>
      %dma_wait3A_135 = arith.constant 0 : i32
      %dma_wait3A_136 = tpu.memref_slice %arg4[%add3A_103, %dma_wait3A_135] : memref<32768x128xf32, #tpu.memory_space<hbm>> -> memref<128x128xf32, #tpu.memory_space<hbm>>
      tpu.wait_dma2 semaphore(%run_scoped3A : memref<!tpu.dma_semaphore, #tpu.memory_space<semaphore_mem>>) src(%arg7 : memref<128x128xf32, #tpu.memory_space<vmem>>) dst(%dma_wait3A_136 : memref<128x128xf32, #tpu.memory_space<hbm>>)
      tpu.yield
    }) : () -> ()
    %dma_start3A_104 = arith.constant 7 : i32
    %dma_start3A_105 = arith.constant 0 : i32
    %dma_start3A_106 = tpu.memref_slice %arg5[%dma_start3A_104, %dma_start3A_105] : memref<8x128xi32, #tpu.memory_space<vmem>> -> memref<1x128xi32, #tpu.memory_space<vmem>>
    %dma_start3A_107 = tpu.memref_squeeze %dma_start3A_106 : memref<1x128xi32, #tpu.memory_space<vmem>> -> memref<128xi32, #tpu.memory_space<vmem>>
    %dma_start3A_108 = arith.constant 0 : i32
    %dma_start3A_109 = arith.constant 0 : i32
    %dma_start3A_110 = tpu.memref_slice %arg2[%dma_start3A_108, %dma_start3A_109] : memref<16384x128xf32, #tpu.memory_space<hbm>> -> memref<16384x128xf32, #tpu.memory_space<hbm>>
    tpu.enqueue_indirect_dma source(%dma_start3A_110 : memref<16384x128xf32, #tpu.memory_space<hbm>>) target(%arg7 : memref<128x128xf32, #tpu.memory_space<vmem>>) offsets(%dma_start3A_107 : memref<128xi32, #tpu.memory_space<vmem>>) semaphore(%arg9 : memref<!tpu.dma_semaphore, #tpu.memory_space<semaphore_mem>>)
    %dma_wait3A_111 = arith.constant 6 : i32
    %dma_wait3A_112 = arith.constant 0 : i32
    %dma_wait3A_113 = tpu.memref_slice %arg5[%dma_wait3A_111, %dma_wait3A_112] : memref<8x128xi32, #tpu.memory_space<vmem>> -> memref<1x128xi32, #tpu.memory_space<vmem>>
    %dma_wait3A_114 = tpu.memref_squeeze %dma_wait3A_113 : memref<1x128xi32, #tpu.memory_space<vmem>> -> memref<128xi32, #tpu.memory_space<vmem>>
    %dma_wait3A_115 = arith.constant 0 : i32
    %dma_wait3A_116 = arith.constant 0 : i32
    %dma_wait3A_117 = tpu.memref_slice %arg2[%dma_wait3A_115, %dma_wait3A_116] : memref<16384x128xf32, #tpu.memory_space<hbm>> -> memref<16384x128xf32, #tpu.memory_space<hbm>>
    tpu.wait_indirect_dma semaphore(%arg8 : memref<!tpu.dma_semaphore, #tpu.memory_space<semaphore_mem>>) src(%dma_wait3A_117 : memref<16384x128xf32, #tpu.memory_space<hbm>>) dst(%arg6 : memref<128x128xf32, #tpu.memory_space<vmem>>)
    %add3A_118 = arith.constant 768 : i32
    %add3A_119 = arith.addi %mul3A_2, %add3A_118 : i32
    "tpu.region"() ({
      %run_scoped3A = tpu.sem_alloc : memref<!tpu.dma_semaphore, #tpu.memory_space<semaphore_mem>>
      %dma_start3A_129 = arith.constant 0 : i32
      %dma_start3A_130 = tpu.memref_slice %arg4[%add3A_119, %dma_start3A_129] : memref<32768x128xf32, #tpu.memory_space<hbm>> -> memref<128x128xf32, #tpu.memory_space<hbm>>
      %dma_start3A_131 = arith.constant 0 : i32
      %dma_start3A_132 = tpu.memref_slice %arg4[%add3A_119, %dma_start3A_131] : memref<32768x128xf32, #tpu.memory_space<hbm>> -> memref<128x128xf32, #tpu.memory_space<hbm>>
      tpu.enqueue_dma source(%arg6 : memref<128x128xf32, #tpu.memory_space<vmem>>) target(%dma_start3A_132 : memref<128x128xf32, #tpu.memory_space<hbm>>) target_semaphore(%run_scoped3A : memref<!tpu.dma_semaphore, #tpu.memory_space<semaphore_mem>>)
      %dma_wait3A_133 = arith.constant 0 : i32
      %dma_wait3A_134 = tpu.memref_slice %arg4[%add3A_119, %dma_wait3A_133] : memref<32768x128xf32, #tpu.memory_space<hbm>> -> memref<128x128xf32, #tpu.memory_space<hbm>>
      %dma_wait3A_135 = arith.constant 0 : i32
      %dma_wait3A_136 = tpu.memref_slice %arg4[%add3A_119, %dma_wait3A_135] : memref<32768x128xf32, #tpu.memory_space<hbm>> -> memref<128x128xf32, #tpu.memory_space<hbm>>
      tpu.wait_dma2 semaphore(%run_scoped3A : memref<!tpu.dma_semaphore, #tpu.memory_space<semaphore_mem>>) src(%arg6 : memref<128x128xf32, #tpu.memory_space<vmem>>) dst(%dma_wait3A_136 : memref<128x128xf32, #tpu.memory_space<hbm>>)
      tpu.yield
    }) : () -> ()
    %dma_wait3A_120 = arith.constant 7 : i32
    %dma_wait3A_121 = arith.constant 0 : i32
    %dma_wait3A_122 = tpu.memref_slice %arg5[%dma_wait3A_120, %dma_wait3A_121] : memref<8x128xi32, #tpu.memory_space<vmem>> -> memref<1x128xi32, #tpu.memory_space<vmem>>
    %dma_wait3A_123 = tpu.memref_squeeze %dma_wait3A_122 : memref<1x128xi32, #tpu.memory_space<vmem>> -> memref<128xi32, #tpu.memory_space<vmem>>
    %dma_wait3A_124 = arith.constant 0 : i32
    %dma_wait3A_125 = arith.constant 0 : i32
    %dma_wait3A_126 = tpu.memref_slice %arg2[%dma_wait3A_124, %dma_wait3A_125] : memref<16384x128xf32, #tpu.memory_space<hbm>> -> memref<16384x128xf32, #tpu.memory_space<hbm>>
    tpu.wait_indirect_dma semaphore(%arg9 : memref<!tpu.dma_semaphore, #tpu.memory_space<semaphore_mem>>) src(%dma_wait3A_126 : memref<16384x128xf32, #tpu.memory_space<hbm>>) dst(%arg7 : memref<128x128xf32, #tpu.memory_space<vmem>>)
    %add3A_127 = arith.constant 896 : i32
    %add3A_128 = arith.addi %mul3A_2, %add3A_127 : i32
    "tpu.region"() ({
      %run_scoped3A = tpu.sem_alloc : memref<!tpu.dma_semaphore, #tpu.memory_space<semaphore_mem>>
      %dma_start3A_129 = arith.constant 0 : i32
      %dma_start3A_130 = tpu.memref_slice %arg4[%add3A_128, %dma_start3A_129] : memref<32768x128xf32, #tpu.memory_space<hbm>> -> memref<128x128xf32, #tpu.memory_space<hbm>>
      %dma_start3A_131 = arith.constant 0 : i32
      %dma_start3A_132 = tpu.memref_slice %arg4[%add3A_128, %dma_start3A_131] : memref<32768x128xf32, #tpu.memory_space<hbm>> -> memref<128x128xf32, #tpu.memory_space<hbm>>
      tpu.enqueue_dma source(%arg7 : memref<128x128xf32, #tpu.memory_space<vmem>>) target(%dma_start3A_132 : memref<128x128xf32, #tpu.memory_space<hbm>>) target_semaphore(%run_scoped3A : memref<!tpu.dma_semaphore, #tpu.memory_space<semaphore_mem>>)
      %dma_wait3A_133 = arith.constant 0 : i32
      %dma_wait3A_134 = tpu.memref_slice %arg4[%add3A_128, %dma_wait3A_133] : memref<32768x128xf32, #tpu.memory_space<hbm>> -> memref<128x128xf32, #tpu.memory_space<hbm>>
      %dma_wait3A_135 = arith.constant 0 : i32
      %dma_wait3A_136 = tpu.memref_slice %arg4[%add3A_128, %dma_wait3A_135] : memref<32768x128xf32, #tpu.memory_space<hbm>> -> memref<128x128xf32, #tpu.memory_space<hbm>>
      tpu.wait_dma2 semaphore(%run_scoped3A : memref<!tpu.dma_semaphore, #tpu.memory_space<semaphore_mem>>) src(%arg7 : memref<128x128xf32, #tpu.memory_space<vmem>>) dst(%dma_wait3A_136 : memref<128x128xf32, #tpu.memory_space<hbm>>)
      tpu.yield
    }) : () -> ()
    return
  }
}

module attributes {stable_mosaic.version = 14 : i64} {
  func.func @_fps_body(%arg0: memref<128x128xf32, #tpu.memory_space<vmem>>, %arg1: memref<128x128xf32, #tpu.memory_space<vmem>>, %arg2: memref<128x128xf32, #tpu.memory_space<vmem>>, %arg3: memref<8x128xf32, #tpu.memory_space<vmem>>, %arg4: memref<8x128xf32, #tpu.memory_space<vmem>>, %arg5: memref<8x128xf32, #tpu.memory_space<vmem>>, %arg6: memref<128x128xf32, #tpu.memory_space<vmem>>) attributes {dimension_semantics = [], scalar_prefetch = 0 : i64, scratch_operands = 1 : i64, tpu.core_type = #tpu.core_type<tc>} {
    %get3A = arith.constant 0 : index
    %get3A_0 = arith.constant 0 : index
    %get3A_1 = vector.load %arg0[%get3A, %get3A_0] : memref<128x128xf32, #tpu.memory_space<vmem>>, vector<128x128xf32>
    %get3A_2 = arith.constant 0 : index
    %get3A_3 = arith.constant 0 : index
    %get3A_4 = vector.load %arg1[%get3A_2, %get3A_3] : memref<128x128xf32, #tpu.memory_space<vmem>>, vector<128x128xf32>
    %get3A_5 = arith.constant 0 : index
    %get3A_6 = arith.constant 0 : index
    %get3A_7 = vector.load %arg2[%get3A_5, %get3A_6] : memref<128x128xf32, #tpu.memory_space<vmem>>, vector<128x128xf32>
    %iota3A = tpu.iota {dimensions = array<i32: 0>} : vector<128x128xi32>
    %mul3A = arith.constant 128 : i32
    %mul3A_8 = vector.broadcast %mul3A : i32 to vector<128x128xi32>
    %mul3A_9 = arith.muli %iota3A, %mul3A_8 : vector<128x128xi32>
    %iota3A_10 = tpu.iota {dimensions = array<i32: 1>} : vector<128x128xi32>
    %add3A = arith.addi %mul3A_9, %iota3A_10 : vector<128x128xi32>
    %iota3A_11 = tpu.iota {dimensions = array<i32: 0>} : vector<8x128xi32>
    %mul3A_12 = arith.constant 128 : i32
    %mul3A_13 = vector.broadcast %mul3A_12 : i32 to vector<8x128xi32>
    %mul3A_14 = arith.muli %iota3A_11, %mul3A_13 : vector<8x128xi32>
    %iota3A_15 = tpu.iota {dimensions = array<i32: 1>} : vector<8x128xi32>
    %add3A_16 = arith.addi %mul3A_14, %iota3A_15 : vector<8x128xi32>
    %iota3A_17 = tpu.iota {dimensions = array<i32: 1>} : vector<1x128xi32>
    %broadcast_in_dim3A = arith.constant 0x7F800000 : f32
    %broadcast_in_dim3A_18 = vector.broadcast %broadcast_in_dim3A : f32 to vector<128x128xf32>
    %swap3A = arith.constant 0 : index
    %swap3A_19 = arith.constant 0 : index
    %swap3A_20 = vector.load %arg6[%swap3A, %swap3A_19] : memref<128x128xf32, #tpu.memory_space<vmem>>, vector<128x128xf32>
    tpu.vector_store %arg6[%swap3A, %swap3A_19], %broadcast_in_dim3A_18 {strides = array<i32>} : memref<128x128xf32, #tpu.memory_space<vmem>>, vector<128x128xf32>,
    %get3A_21 = arith.constant 0 : index
    %get3A_22 = arith.constant 0 : index
    %get3A_23 = vector.load %arg0[%get3A_21, %get3A_22] : memref<128x128xf32, #tpu.memory_space<vmem>>, vector<1x1xf32>
    %get3A_24 = vector.extract %get3A_23[0, 0] : f32 from vector<1x1xf32>
    %get3A_25 = arith.constant 0 : index
    %get3A_26 = arith.constant 0 : index
    %get3A_27 = vector.load %arg1[%get3A_25, %get3A_26] : memref<128x128xf32, #tpu.memory_space<vmem>>, vector<1x1xf32>
    %get3A_28 = vector.extract %get3A_27[0, 0] : f32 from vector<1x1xf32>
    %get3A_29 = arith.constant 0 : index
    %get3A_30 = arith.constant 0 : index
    %get3A_31 = vector.load %arg2[%get3A_29, %get3A_30] : memref<128x128xf32, #tpu.memory_space<vmem>>, vector<1x1xf32>
    %get3A_32 = vector.extract %get3A_31[0, 0] : f32 from vector<1x1xf32>
    %eq3A = arith.constant 0 : i32
    %eq3A_33 = vector.broadcast %eq3A : i32 to vector<8x128xi32>
    %eq3A_34 = arith.cmpi eq, %add3A_16, %eq3A_33 : vector<8x128xi32>
    %jit3A = arith.constant 0.000000e+00 : f32
    %broadcast_in_dim3A_35 = vector.broadcast %get3A_24 : f32 to vector<8x128xf32>
    %broadcast_in_dim3A_36 = vector.broadcast %jit3A : f32 to vector<8x128xf32>
    %select_n3A = arith.select %eq3A_34, %broadcast_in_dim3A_35, %broadcast_in_dim3A_36 : vector<8x128xi1>, vector<8x128xf32>
    %swap3A_37 = arith.constant 0 : index
    %swap3A_38 = arith.constant 0 : index
    %swap3A_39 = vector.load %arg3[%swap3A_37, %swap3A_38] : memref<8x128xf32, #tpu.memory_space<vmem>>, vector<8x128xf32>
    tpu.vector_store %arg3[%swap3A_37, %swap3A_38], %select_n3A {strides = array<i32>} : memref<8x128xf32, #tpu.memory_space<vmem>>, vector<8x128xf32>,
    %eq3A_40 = arith.constant 0 : i32
    %eq3A_41 = vector.broadcast %eq3A_40 : i32 to vector<8x128xi32>
    %eq3A_42 = arith.cmpi eq, %add3A_16, %eq3A_41 : vector<8x128xi32>
    %jit3A_43 = arith.constant 0.000000e+00 : f32
    %broadcast_in_dim3A_44 = vector.broadcast %get3A_28 : f32 to vector<8x128xf32>
    %broadcast_in_dim3A_45 = vector.broadcast %jit3A_43 : f32 to vector<8x128xf32>
    %select_n3A_46 = arith.select %eq3A_42, %broadcast_in_dim3A_44, %broadcast_in_dim3A_45 : vector<8x128xi1>, vector<8x128xf32>
    %swap3A_47 = arith.constant 0 : index
    %swap3A_48 = arith.constant 0 : index
    %swap3A_49 = vector.load %arg4[%swap3A_47, %swap3A_48] : memref<8x128xf32, #tpu.memory_space<vmem>>, vector<8x128xf32>
    tpu.vector_store %arg4[%swap3A_47, %swap3A_48], %select_n3A_46 {strides = array<i32>} : memref<8x128xf32, #tpu.memory_space<vmem>>, vector<8x128xf32>,
    %eq3A_50 = arith.constant 0 : i32
    %eq3A_51 = vector.broadcast %eq3A_50 : i32 to vector<8x128xi32>
    %eq3A_52 = arith.cmpi eq, %add3A_16, %eq3A_51 : vector<8x128xi32>
    %jit3A_53 = arith.constant 0.000000e+00 : f32
    %broadcast_in_dim3A_54 = vector.broadcast %get3A_32 : f32 to vector<8x128xf32>
    %broadcast_in_dim3A_55 = vector.broadcast %jit3A_53 : f32 to vector<8x128xf32>
    %select_n3A_56 = arith.select %eq3A_52, %broadcast_in_dim3A_54, %broadcast_in_dim3A_55 : vector<8x128xi1>, vector<8x128xf32>
    %swap3A_57 = arith.constant 0 : index
    %swap3A_58 = arith.constant 0 : index
    %swap3A_59 = vector.load %arg5[%swap3A_57, %swap3A_58] : memref<8x128xf32, #tpu.memory_space<vmem>>, vector<8x128xf32>
    tpu.vector_store %arg5[%swap3A_57, %swap3A_58], %select_n3A_56 {strides = array<i32>} : memref<8x128xf32, #tpu.memory_space<vmem>>, vector<8x128xf32>,
    %scan3A = arith.constant 1 : i32
    %scan3A_60 = arith.constant 1023 : i32
    %scan3A_61 = arith.addi %scan3A, %scan3A_60 : i32
    %scan3A_62 = arith.constant 1 : i32
    %scan3A_63:3 = scf.for %scan3A_65 = %scan3A to %scan3A_61 step %scan3A_62 iter_args(%scan3A_66 = %get3A_24, %scan3A_67 = %get3A_28, %scan3A_68 = %get3A_32) -> (f32, f32, f32)  : i32 {
      %sub3A = vector.broadcast %scan3A_66 : f32 to vector<128x128xf32>
      %sub3A_69 = arith.subf %get3A_1, %sub3A : vector<128x128xf32>
      %sub3A_70 = vector.broadcast %scan3A_67 : f32 to vector<128x128xf32>
      %sub3A_71 = arith.subf %get3A_4, %sub3A_70 : vector<128x128xf32>
      %sub3A_72 = vector.broadcast %scan3A_68 : f32 to vector<128x128xf32>
      %sub3A_73 = arith.subf %get3A_7, %sub3A_72 : vector<128x128xf32>
      %mul3A_74 = arith.mulf %sub3A_69, %sub3A_69 : vector<128x128xf32>
      %mul3A_75 = arith.mulf %sub3A_71, %sub3A_71 : vector<128x128xf32>
      %add3A_76 = arith.addf %mul3A_74, %mul3A_75 : vector<128x128xf32>
      %mul3A_77 = arith.mulf %sub3A_73, %sub3A_73 : vector<128x128xf32>
      %add3A_78 = arith.addf %add3A_76, %mul3A_77 : vector<128x128xf32>
      %get3A_79 = arith.constant 0 : index
      %get3A_80 = arith.constant 0 : index
      %get3A_81 = vector.load %arg6[%get3A_79, %get3A_80] : memref<128x128xf32, #tpu.memory_space<vmem>>, vector<128x128xf32>
      %min3A = arith.minimumf %get3A_81, %add3A_78 : vector<128x128xf32>
      %swap3A_82 = arith.constant 0 : index
      %swap3A_83 = arith.constant 0 : index
      %swap3A_84 = vector.load %arg6[%swap3A_82, %swap3A_83] : memref<128x128xf32, #tpu.memory_space<vmem>>, vector<128x128xf32>
      tpu.vector_store %arg6[%swap3A_82, %swap3A_83], %min3A {strides = array<i32>} : memref<128x128xf32, #tpu.memory_space<vmem>>, vector<128x128xf32>,
      %reduce_max3A = vector.shape_cast %min3A : vector<128x128xf32> to vector<1x128x128xf32>
      %reduce_max3A_85 = arith.constant dense<0xFF800000> : vector<1xf32>
      %reduce_max3A_86 = vector.multi_reduction <maximumf>, %reduce_max3A, %reduce_max3A_85 [1, 2] : vector<1x128x128xf32> to vector<1xf32>
      %reduce_max3A_87 = vector.shape_cast %reduce_max3A_86 : vector<1xf32> to vector<1x1x1xf32>
      %reduce_max3A_88 = vector.extract %reduce_max3A_87[0, 0, 0] : f32 from vector<1x1x1xf32>
      %eq3A_89 = vector.broadcast %reduce_max3A_88 : f32 to vector<128x128xf32>
      %eq3A_90 = arith.cmpf oeq, %min3A, %eq3A_89 : vector<128x128xf32>
      %jit3A_91 = arith.constant 1073741824 : i32
      %broadcast_in_dim3A_92 = vector.broadcast %jit3A_91 : i32 to vector<128x128xi32>
      %select_n3A_93 = arith.select %eq3A_90, %add3A, %broadcast_in_dim3A_92 : vector<128x128xi1>, vector<128x128xi32>
      %reduce_min3A = vector.shape_cast %select_n3A_93 : vector<128x128xi32> to vector<1x128x128xi32>
      %reduce_min3A_94 = arith.constant dense<2147483647> : vector<1xi32>
      %reduce_min3A_95 = vector.multi_reduction <minsi>, %reduce_min3A, %reduce_min3A_94 [1, 2] : vector<1x128x128xi32> to vector<1xi32>
      %reduce_min3A_96 = vector.shape_cast %reduce_min3A_95 : vector<1xi32> to vector<1x1x1xi32>
      %reduce_min3A_97 = vector.extract %reduce_min3A_96[0, 0, 0] : i32 from vector<1x1x1xi32>
      %jit3A_98 = arith.constant 128 : i32
      %div3A = arith.divsi %reduce_min3A_97, %jit3A_98 : i32
      %sign3A = arith.constant 0 : i32
      %sign3A_99 = arith.cmpi sgt, %reduce_min3A_97, %sign3A : i32
      %sign3A_100 = arith.extui %sign3A_99 : i1 to i32
      %sign3A_101 = arith.constant 0 : i32
      %sign3A_102 = arith.cmpi slt, %reduce_min3A_97, %sign3A_101 : i32
      %sign3A_103 = arith.extui %sign3A_102 : i1 to i32
      %sign3A_104 = arith.subi %sign3A_100, %sign3A_103 : i32
      %sign3A_105 = arith.constant 0 : i32
      %sign3A_106 = arith.cmpi sgt, %jit3A_98, %sign3A_105 : i32
      %sign3A_107 = arith.extui %sign3A_106 : i1 to i32
      %sign3A_108 = arith.constant 0 : i32
      %sign3A_109 = arith.cmpi slt, %jit3A_98, %sign3A_108 : i32
      %sign3A_110 = arith.extui %sign3A_109 : i1 to i32
      %sign3A_111 = arith.subi %sign3A_107, %sign3A_110 : i32
      %ne3A = arith.cmpi ne, %sign3A_104, %sign3A_111 : i32
      %rem3A = arith.remsi %reduce_min3A_97, %jit3A_98 : i32
      %ne3A_112 = arith.constant 0 : i32
      %ne3A_113 = arith.cmpi ne, %rem3A, %ne3A_112 : i32
      %and3A = arith.andi %ne3A, %ne3A_113 : i1
      %sub3A_114 = arith.constant 1 : i32
      %sub3A_115 = arith.subi %div3A, %sub3A_114 : i32
      %select_n3A_116 = arith.select %and3A, %sub3A_115, %div3A : i32
      %jit3A_117 = arith.constant 128 : i32
      %eq3A_118 = arith.constant 0 : i32
      %eq3A_119 = arith.cmpi eq, %jit3A_117, %eq3A_118 : i32
      %jit3A_120 = arith.constant 1 : i32
      %select_n3A_121 = arith.select %eq3A_119, %jit3A_120, %jit3A_117 : i32
      %rem3A_122 = arith.remsi %reduce_min3A_97, %select_n3A_121 : i32
      %ne3A_123 = arith.constant 0 : i32
      %ne3A_124 = arith.cmpi ne, %rem3A_122, %ne3A_123 : i32
      %lt3A = arith.constant 0 : i32
      %lt3A_125 = arith.cmpi slt, %rem3A_122, %lt3A : i32
      %lt3A_126 = arith.constant 0 : i32
      %lt3A_127 = arith.cmpi slt, %select_n3A_121, %lt3A_126 : i32
      %ne3A_128 = arith.xori %lt3A_125, %lt3A_127 : i1
      %and3A_129 = arith.andi %ne3A_128, %ne3A_124 : i1
      %add3A_130 = arith.addi %rem3A_122, %select_n3A_121 : i32
      %select_n3A_131 = arith.select %and3A_129, %add3A_130, %rem3A_122 : i32
      %eq3A_132 = vector.broadcast %select_n3A_131 : i32 to vector<1x128xi32>
      %eq3A_133 = arith.cmpi eq, %iota3A_17, %eq3A_132 : vector<1x128xi32>
      %get3A_134 = arith.index_cast %select_n3A_116 : i32 to index
      %get3A_135 = arith.constant 0 : index
      %get3A_136 = vector.load %arg0[%get3A_134, %get3A_135] : memref<128x128xf32, #tpu.memory_space<vmem>>, vector<1x128xf32>
      %jit3A_137 = arith.constant 0xFF800000 : f32
      %broadcast_in_dim3A_138 = vector.broadcast %jit3A_137 : f32 to vector<1x128xf32>
      %select_n3A_139 = arith.select %eq3A_133, %get3A_136, %broadcast_in_dim3A_138 : vector<1x128xi1>, vector<1x128xf32>
      %reduce_max3A_140 = vector.shape_cast %select_n3A_139 : vector<1x128xf32> to vector<1x1x128xf32>
      %reduce_max3A_141 = arith.constant dense<0xFF800000> : vector<1xf32>
      %reduce_max3A_142 = vector.multi_reduction <maximumf>, %reduce_max3A_140, %reduce_max3A_141 [1, 2] : vector<1x1x128xf32> to vector<1xf32>
      %reduce_max3A_143 = vector.shape_cast %reduce_max3A_142 : vector<1xf32> to vector<1x1x1xf32>
      %reduce_max3A_144 = vector.extract %reduce_max3A_143[0, 0, 0] : f32 from vector<1x1x1xf32>
      %get3A_145 = arith.index_cast %select_n3A_116 : i32 to index
      %get3A_146 = arith.constant 0 : index
      %get3A_147 = vector.load %arg1[%get3A_145, %get3A_146] : memref<128x128xf32, #tpu.memory_space<vmem>>, vector<1x128xf32>
      %jit3A_148 = arith.constant 0xFF800000 : f32
      %broadcast_in_dim3A_149 = vector.broadcast %jit3A_148 : f32 to vector<1x128xf32>
      %select_n3A_150 = arith.select %eq3A_133, %get3A_147, %broadcast_in_dim3A_149 : vector<1x128xi1>, vector<1x128xf32>
      %reduce_max3A_151 = vector.shape_cast %select_n3A_150 : vector<1x128xf32> to vector<1x1x128xf32>
      %reduce_max3A_152 = arith.constant dense<0xFF800000> : vector<1xf32>
      %reduce_max3A_153 = vector.multi_reduction <maximumf>, %reduce_max3A_151, %reduce_max3A_152 [1, 2] : vector<1x1x128xf32> to vector<1xf32>
      %reduce_max3A_154 = vector.shape_cast %reduce_max3A_153 : vector<1xf32> to vector<1x1x1xf32>
      %reduce_max3A_155 = vector.extract %reduce_max3A_154[0, 0, 0] : f32 from vector<1x1x1xf32>
      %get3A_156 = arith.index_cast %select_n3A_116 : i32 to index
      %get3A_157 = arith.constant 0 : index
      %get3A_158 = vector.load %arg2[%get3A_156, %get3A_157] : memref<128x128xf32, #tpu.memory_space<vmem>>, vector<1x128xf32>
      %jit3A_159 = arith.constant 0xFF800000 : f32
      %broadcast_in_dim3A_160 = vector.broadcast %jit3A_159 : f32 to vector<1x128xf32>
      %select_n3A_161 = arith.select %eq3A_133, %get3A_158, %broadcast_in_dim3A_160 : vector<1x128xi1>, vector<1x128xf32>
      %reduce_max3A_162 = vector.shape_cast %select_n3A_161 : vector<1x128xf32> to vector<1x1x128xf32>
      %reduce_max3A_163 = arith.constant dense<0xFF800000> : vector<1xf32>
      %reduce_max3A_164 = vector.multi_reduction <maximumf>, %reduce_max3A_162, %reduce_max3A_163 [1, 2] : vector<1x1x128xf32> to vector<1xf32>
      %reduce_max3A_165 = vector.shape_cast %reduce_max3A_164 : vector<1xf32> to vector<1x1x1xf32>
      %reduce_max3A_166 = vector.extract %reduce_max3A_165[0, 0, 0] : f32 from vector<1x1x1xf32>
      %eq3A_167 = vector.broadcast %scan3A_65 : i32 to vector<8x128xi32>
      %eq3A_168 = arith.cmpi eq, %add3A_16, %eq3A_167 : vector<8x128xi32>
      %get3A_169 = arith.constant 0 : index
      %get3A_170 = arith.constant 0 : index
      %get3A_171 = vector.load %arg3[%get3A_169, %get3A_170] : memref<8x128xf32, #tpu.memory_space<vmem>>, vector<8x128xf32>
      %broadcast_in_dim3A_172 = vector.broadcast %reduce_max3A_144 : f32 to vector<8x128xf32>
      %select_n3A_173 = arith.select %eq3A_168, %broadcast_in_dim3A_172, %get3A_171 : vector<8x128xi1>, vector<8x128xf32>
      %swap3A_174 = arith.constant 0 : index
      %swap3A_175 = arith.constant 0 : index
      %swap3A_176 = vector.load %arg3[%swap3A_174, %swap3A_175] : memref<8x128xf32, #tpu.memory_space<vmem>>, vector<8x128xf32>
      tpu.vector_store %arg3[%swap3A_174, %swap3A_175], %select_n3A_173 {strides = array<i32>} : memref<8x128xf32, #tpu.memory_space<vmem>>, vector<8x128xf32>,
      %get3A_177 = arith.constant 0 : index
      %get3A_178 = arith.constant 0 : index
      %get3A_179 = vector.load %arg4[%get3A_177, %get3A_178] : memref<8x128xf32, #tpu.memory_space<vmem>>, vector<8x128xf32>
      %broadcast_in_dim3A_180 = vector.broadcast %reduce_max3A_155 : f32 to vector<8x128xf32>
      %select_n3A_181 = arith.select %eq3A_168, %broadcast_in_dim3A_180, %get3A_179 : vector<8x128xi1>, vector<8x128xf32>
      %swap3A_182 = arith.constant 0 : index
      %swap3A_183 = arith.constant 0 : index
      %swap3A_184 = vector.load %arg4[%swap3A_182, %swap3A_183] : memref<8x128xf32, #tpu.memory_space<vmem>>, vector<8x128xf32>
      tpu.vector_store %arg4[%swap3A_182, %swap3A_183], %select_n3A_181 {strides = array<i32>} : memref<8x128xf32, #tpu.memory_space<vmem>>, vector<8x128xf32>,
      %get3A_185 = arith.constant 0 : index
      %get3A_186 = arith.constant 0 : index
      %get3A_187 = vector.load %arg5[%get3A_185, %get3A_186] : memref<8x128xf32, #tpu.memory_space<vmem>>, vector<8x128xf32>
      %broadcast_in_dim3A_188 = vector.broadcast %reduce_max3A_166 : f32 to vector<8x128xf32>
      %select_n3A_189 = arith.select %eq3A_168, %broadcast_in_dim3A_188, %get3A_187 : vector<8x128xi1>, vector<8x128xf32>
      %swap3A_190 = arith.constant 0 : index
      %swap3A_191 = arith.constant 0 : index
      %swap3A_192 = vector.load %arg5[%swap3A_190, %swap3A_191] : memref<8x128xf32, #tpu.memory_space<vmem>>, vector<8x128xf32>
      tpu.vector_store %arg5[%swap3A_190, %swap3A_191], %select_n3A_189 {strides = array<i32>} : memref<8x128xf32, #tpu.memory_space<vmem>>, vector<8x128xf32>,
      scf.yield %reduce_max3A_144, %reduce_max3A_155, %reduce_max3A_166 : f32, f32, f32
    }
    %scan3A_64 = arith.constant 1023 : i32
    return
  }
}

module attributes {stable_mosaic.version = 14 : i64} {
  func.func @_knn_body(%arg0: i32, %arg1: memref<128x3xf32, #tpu.memory_space<vmem>>, %arg2: memref<128x3xbf16, #tpu.memory_space<vmem>>, %arg3: memref<3x16384xbf16, #tpu.memory_space<vmem>>, %arg4: memref<3x16384xf32, #tpu.memory_space<vmem>>, %arg5: memref<128x32xi32, #tpu.memory_space<vmem>>, %arg6: memref<128x16384xf32, #tpu.memory_space<vmem>>) attributes {dimension_semantics = [#tpu.dimension_semantics<arbitrary>], iteration_bounds = array<i64: 8>, scalar_prefetch = 0 : i64, scratch_operands = 1 : i64, tpu.core_type = #tpu.core_type<tc>, window_params = [{transform_indices = @transform_0, window_bounds = array<i64: 128, 3>}, {transform_indices = @transform_1, window_bounds = array<i64: 128, 3>}, {pipeline_mode = #tpu.pipeline_mode<synchronous>, transform_indices = @transform_2, window_bounds = array<i64: 3, 16384>}, {pipeline_mode = #tpu.pipeline_mode<synchronous>, transform_indices = @transform_3, window_bounds = array<i64: 3, 16384>}, {transform_indices = @transform_4, window_bounds = array<i64: 128, 32>}]} {
    %get3A = arith.constant 0 : index
    %get3A_0 = arith.constant 0 : index
    %get3A_1 = vector.load %arg1[%get3A, %get3A_0] : memref<128x3xf32, #tpu.memory_space<vmem>>, vector<128x3xf32>
    %slice3A = vector.extract_strided_slice %get3A_1 {offsets = [0, 0], sizes = [128, 1], strides = [1, 1]} : vector<128x3xf32> to vector<128x1xf32>
    %slice3A_2 = vector.extract_strided_slice %get3A_1 {offsets = [0, 1], sizes = [128, 1], strides = [1, 1]} : vector<128x3xf32> to vector<128x1xf32>
    %slice3A_3 = vector.extract_strided_slice %get3A_1 {offsets = [0, 2], sizes = [128, 1], strides = [1, 1]} : vector<128x3xf32> to vector<128x1xf32>
    %mul3A = arith.mulf %slice3A, %slice3A : vector<128x1xf32>
    %mul3A_4 = arith.mulf %slice3A_2, %slice3A_2 : vector<128x1xf32>
    %add3A = arith.addf %mul3A, %mul3A_4 : vector<128x1xf32>
    %mul3A_5 = arith.mulf %slice3A_3, %slice3A_3 : vector<128x1xf32>
    %add3A_6 = arith.addf %add3A, %mul3A_5 : vector<128x1xf32>
    %get3A_7 = arith.constant 0 : index
    %get3A_8 = arith.constant 0 : index
    %get3A_9 = vector.load %arg4[%get3A_7, %get3A_8] : memref<3x16384xf32, #tpu.memory_space<vmem>>, vector<1x16384xf32>
    %get3A_10 = arith.constant 1 : index
    %get3A_11 = arith.constant 0 : index
    %get3A_12 = vector.load %arg4[%get3A_10, %get3A_11] : memref<3x16384xf32, #tpu.memory_space<vmem>>, vector<1x16384xf32>
    %get3A_13 = arith.constant 2 : index
    %get3A_14 = arith.constant 0 : index
    %get3A_15 = vector.load %arg4[%get3A_13, %get3A_14] : memref<3x16384xf32, #tpu.memory_space<vmem>>, vector<1x16384xf32>
    %mul3A_16 = arith.mulf %get3A_9, %get3A_9 : vector<1x16384xf32>
    %mul3A_17 = arith.mulf %get3A_12, %get3A_12 : vector<1x16384xf32>
    %add3A_18 = arith.addf %mul3A_16, %mul3A_17 : vector<1x16384xf32>
    %mul3A_19 = arith.mulf %get3A_15, %get3A_15 : vector<1x16384xf32>
    %add3A_20 = arith.addf %add3A_18, %mul3A_19 : vector<1x16384xf32>
    %get3A_21 = arith.constant 0 : index
    %get3A_22 = arith.constant 0 : index
    %get3A_23 = vector.load %arg2[%get3A_21, %get3A_22] : memref<128x3xbf16, #tpu.memory_space<vmem>>, vector<128x3xbf16>
    %get3A_24 = arith.constant 0 : index
    %get3A_25 = arith.constant 0 : index
    %get3A_26 = vector.load %arg3[%get3A_24, %get3A_25] : memref<3x16384xbf16, #tpu.memory_space<vmem>>, vector<3x16384xbf16>
    %dot_general3A = arith.constant dense<0.000000e+00> : vector<128x16384xf32>
    %dot_general3A_27 = tpu.matmul %get3A_23, %get3A_26, %dot_general3A {dimension_numbers = #tpu.dot_dimension_numbers<[1], [0], [0], [1], [0, 0, 1, 1], [], []>, transpose_lhs_hint = false} : vector<128x3xbf16>, vector<3x16384xbf16>, vector<128x16384xf32> -> vector<128x16384xf32>
    %add3A_28 = vector.broadcast %add3A_6 : vector<128x1xf32> to vector<128x16384xf32>
    %add3A_29 = vector.broadcast %add3A_20 : vector<1x16384xf32> to vector<128x16384xf32>
    %add3A_30 = arith.addf %add3A_28, %add3A_29 : vector<128x16384xf32>
    %mul3A_31 = arith.constant 2.000000e+00 : f32
    %mul3A_32 = vector.broadcast %mul3A_31 : f32 to vector<128x16384xf32>
    %mul3A_33 = arith.mulf %mul3A_32, %dot_general3A_27 : vector<128x16384xf32>
    %sub3A = arith.subf %add3A_30, %mul3A_33 : vector<128x16384xf32>
    %swap3A = arith.constant 0 : index
    %swap3A_34 = arith.constant 0 : index
    %swap3A_35 = vector.load %arg6[%swap3A, %swap3A_34] : memref<128x16384xf32, #tpu.memory_space<vmem>>, vector<128x16384xf32>
    tpu.vector_store %arg6[%swap3A, %swap3A_34], %sub3A {strides = array<i32>} : memref<128x16384xf32, #tpu.memory_space<vmem>>, vector<128x16384xf32>,
    %iota3A = tpu.iota {dimensions = array<i32: 1>} : vector<128x16384xi32>
    %iota3A_36 = tpu.iota {dimensions = array<i32: 1>} : vector<128x32xi32>
    %broadcast_in_dim3A = arith.constant 0 : i32
    %broadcast_in_dim3A_37 = vector.broadcast %broadcast_in_dim3A : i32 to vector<128x32xi32>
    %scan3A = arith.constant 0 : i32
    %scan3A_38 = arith.constant 32 : i32
    %scan3A_39 = arith.addi %scan3A, %scan3A_38 : i32
    %scan3A_40 = arith.constant 1 : i32
    %scan3A_41 = scf.for %scan3A_46 = %scan3A to %scan3A_39 step %scan3A_40 iter_args(%scan3A_47 = %broadcast_in_dim3A_37) -> (vector<128x32xi32>)  : i32 {
      %get3A_48 = arith.constant 0 : index
      %get3A_49 = arith.constant 0 : index
      %get3A_50 = vector.load %arg6[%get3A_48, %get3A_49] : memref<128x16384xf32, #tpu.memory_space<vmem>>, vector<128x16384xf32>
      %reduce_min3A = arith.constant dense<0x7F800000> : vector<128xf32>
      %reduce_min3A_51 = vector.multi_reduction <minimumf>, %get3A_50, %reduce_min3A [1] : vector<128x16384xf32> to vector<128xf32>
      %broadcast_in_dim3A_52 = vector.shape_cast %reduce_min3A_51 : vector<128xf32> to vector<128x1xf32>
      %eq3A = vector.broadcast %broadcast_in_dim3A_52 : vector<128x1xf32> to vector<128x16384xf32>
      %eq3A_53 = arith.cmpf oeq, %get3A_50, %eq3A : vector<128x16384xf32>
      %jit3A = arith.constant 1073741824 : i32
      %broadcast_in_dim3A_54 = vector.broadcast %jit3A : i32 to vector<128x16384xi32>
      %select_n3A = arith.select %eq3A_53, %iota3A, %broadcast_in_dim3A_54 : vector<128x16384xi1>, vector<128x16384xi32>
      %reduce_min3A_55 = arith.constant dense<2147483647> : vector<128xi32>
      %reduce_min3A_56 = vector.multi_reduction <minsi>, %select_n3A, %reduce_min3A_55 [1] : vector<128x16384xi32> to vector<128xi32>
      %broadcast_in_dim3A_57 = vector.shape_cast %reduce_min3A_56 : vector<128xi32> to vector<128x1xi32>
      %eq3A_58 = vector.broadcast %broadcast_in_dim3A_57 : vector<128x1xi32> to vector<128x16384xi32>
      %eq3A_59 = arith.cmpi eq, %iota3A, %eq3A_58 : vector<128x16384xi32>
      %jit3A_60 = arith.constant 0x7F800000 : f32
      %broadcast_in_dim3A_61 = vector.broadcast %jit3A_60 : f32 to vector<128x16384xf32>
      %select_n3A_62 = arith.select %eq3A_59, %broadcast_in_dim3A_61, %get3A_50 : vector<128x16384xi1>, vector<128x16384xf32>
      %swap3A_63 = arith.constant 0 : index
      %swap3A_64 = arith.constant 0 : index
      %swap3A_65 = vector.load %arg6[%swap3A_63, %swap3A_64] : memref<128x16384xf32, #tpu.memory_space<vmem>>, vector<128x16384xf32>
      tpu.vector_store %arg6[%swap3A_63, %swap3A_64], %select_n3A_62 {strides = array<i32>} : memref<128x16384xf32, #tpu.memory_space<vmem>>, vector<128x16384xf32>,
      %eq3A_66 = vector.broadcast %scan3A_46 : i32 to vector<128x32xi32>
      %eq3A_67 = arith.cmpi eq, %iota3A_36, %eq3A_66 : vector<128x32xi32>
      %broadcast_in_dim3A_68 = vector.shape_cast %broadcast_in_dim3A_57 : vector<128x1xi32> to vector<128x1xi32>
      %broadcast_in_dim3A_69 = vector.broadcast %broadcast_in_dim3A_68 : vector<128x1xi32> to vector<128x32xi32>
      %select_n3A_70 = arith.select %eq3A_67, %broadcast_in_dim3A_69, %scan3A_47 : vector<128x32xi1>, vector<128x32xi32>
      scf.yield %select_n3A_70 : vector<128x32xi32>
    }
    %scan3A_42 = arith.constant 32 : i32
    %swap3A_43 = arith.constant 0 : index
    %swap3A_44 = arith.constant 0 : index
    %swap3A_45 = vector.load %arg5[%swap3A_43, %swap3A_44] : memref<128x32xi32, #tpu.memory_space<vmem>>, vector<128x32xi32>
    tpu.vector_store %arg5[%swap3A_43, %swap3A_44], %scan3A_41 {strides = array<i32>} : memref<128x32xi32, #tpu.memory_space<vmem>>, vector<128x32xi32>,
    return
  }
  func.func @transform_0(%arg0: i32) -> (i32, i32) {
    %c0_i32 = arith.constant 0 : i32
    %c0_i32_0 = arith.constant 0 : i32
    return %arg0, %c0_i32 : i32, i32
  }
  func.func @transform_1(%arg0: i32) -> (i32, i32) {
    %c0_i32 = arith.constant 0 : i32
    %c0_i32_0 = arith.constant 0 : i32
    return %arg0, %c0_i32 : i32, i32
  }
  func.func @transform_2(%arg0: i32) -> (i32, i32) {
    %c0_i32 = arith.constant 0 : i32
    %c0_i32_0 = arith.constant 0 : i32
    %c0_i32_1 = arith.constant 0 : i32
    return %c0_i32, %c0_i32_0 : i32, i32
  }
  func.func @transform_3(%arg0: i32) -> (i32, i32) {
    %c0_i32 = arith.constant 0 : i32
    %c0_i32_0 = arith.constant 0 : i32
    %c0_i32_1 = arith.constant 0 : i32
    return %c0_i32, %c0_i32_0 : i32, i32
  }
  func.func @transform_4(%arg0: i32) -> (i32, i32) {
    %c0_i32 = arith.constant 0 : i32
    %c0_i32_0 = arith.constant 0 : i32
    return %arg0, %c0_i32 : i32, i32
  }
}

module attributes {stable_mosaic.version = 14 : i64} {
  func.func @_mlp_body(%arg0: i32, %arg1: memref<4096x128xf32, #tpu.memory_space<vmem>>, %arg2: memref<4096x3xf32, #tpu.memory_space<vmem>>, %arg3: memref<128x48xf32, #tpu.memory_space<vmem>>, %arg4: memref<3x64xf32, #tpu.memory_space<vmem>>, %arg5: memref<1x64xf32, #tpu.memory_space<vmem>>, %arg6: memref<64x128xf32, #tpu.memory_space<vmem>>, %arg7: memref<1x128xf32, #tpu.memory_space<vmem>>, %arg8: memref<128x256xf32, #tpu.memory_space<vmem>>, %arg9: memref<1x256xf32, #tpu.memory_space<vmem>>, %arg10: memref<256x128xf32, #tpu.memory_space<vmem>>, %arg11: memref<1x128xf32, #tpu.memory_space<vmem>>, %arg12: memref<128x64xf32, #tpu.memory_space<vmem>>, %arg13: memref<1x64xf32, #tpu.memory_space<vmem>>, %arg14: memref<64x48xf32, #tpu.memory_space<vmem>>, %arg15: memref<1x48xf32, #tpu.memory_space<vmem>>, %arg16: memref<128x48xf32, #tpu.memory_space<vmem>>) attributes {dimension_semantics = [#tpu.dimension_semantics<arbitrary>], iteration_bounds = array<i64: 8>, scalar_prefetch = 0 : i64, scratch_operands = 0 : i64, tpu.core_type = #tpu.core_type<tc>, window_params = [{transform_indices = @transform_0, window_bounds = array<i64: 4096, 128>}, {transform_indices = @transform_1, window_bounds = array<i64: 4096, 3>}, {transform_indices = @transform_2, window_bounds = array<i64: 128, 48>}, {pipeline_mode = #tpu.pipeline_mode<synchronous>, transform_indices = @transform_3, window_bounds = array<i64: 3, 64>}, {pipeline_mode = #tpu.pipeline_mode<synchronous>, transform_indices = @transform_4, window_bounds = array<i64: 1, 64>}, {pipeline_mode = #tpu.pipeline_mode<synchronous>, transform_indices = @transform_5, window_bounds = array<i64: 64, 128>}, {pipeline_mode = #tpu.pipeline_mode<synchronous>, transform_indices = @transform_6, window_bounds = array<i64: 1, 128>}, {pipeline_mode = #tpu.pipeline_mode<synchronous>, transform_indices = @transform_7, window_bounds = array<i64: 128, 256>}, {pipeline_mode = #tpu.pipeline_mode<synchronous>, transform_indices = @transform_8, window_bounds = array<i64: 1, 256>}, {pipeline_mode = #tpu.pipeline_mode<synchronous>, transform_indices = @transform_9, window_bounds = array<i64: 256, 128>}, {pipeline_mode = #tpu.pipeline_mode<synchronous>, transform_indices = @transform_10, window_bounds = array<i64: 1, 128>}, {pipeline_mode = #tpu.pipeline_mode<synchronous>, transform_indices = @transform_11, window_bounds = array<i64: 128, 64>}, {pipeline_mode = #tpu.pipeline_mode<synchronous>, transform_indices = @transform_12, window_bounds = array<i64: 1, 64>}, {pipeline_mode = #tpu.pipeline_mode<synchronous>, transform_indices = @transform_13, window_bounds = array<i64: 64, 48>}, {pipeline_mode = #tpu.pipeline_mode<synchronous>, transform_indices = @transform_14, window_bounds = array<i64: 1, 48>}, {transform_indices = @transform_15, window_bounds = array<i64: 128, 48>}]} {
    %get3A = arith.constant 0 : index
    %get3A_0 = arith.constant 0 : index
    %get3A_1 = vector.load %arg1[%get3A, %get3A_0] : memref<4096x128xf32, #tpu.memory_space<vmem>>, vector<4096x3xf32>
    %get3A_2 = arith.constant 0 : index
    %get3A_3 = arith.constant 0 : index
    %get3A_4 = vector.load %arg2[%get3A_2, %get3A_3] : memref<4096x3xf32, #tpu.memory_space<vmem>>, vector<4096x3xf32>
    %sub3A = arith.subf %get3A_1, %get3A_4 : vector<4096x3xf32>
    %div3A = arith.constant 2.200000e-01 : f32
    %div3A_5 = vector.broadcast %div3A : f32 to vector<4096x3xf32>
    %div3A_6 = arith.divf %sub3A, %div3A_5 : vector<4096x3xf32>
    %convert_element_type3A = arith.truncf %div3A_6 : vector<4096x3xf32> to vector<4096x3xbf16>
    %get3A_7 = arith.constant 0 : index
    %get3A_8 = arith.constant 0 : index
    %get3A_9 = vector.load %arg4[%get3A_7, %get3A_8] : memref<3x64xf32, #tpu.memory_space<vmem>>, vector<3x64xf32>
    %convert_element_type3A_10 = arith.truncf %get3A_9 : vector<3x64xf32> to vector<3x64xbf16>
    %dot_general3A = arith.constant dense<0.000000e+00> : vector<4096x64xf32>
    %dot_general3A_11 = tpu.matmul %convert_element_type3A, %convert_element_type3A_10, %dot_general3A {dimension_numbers = #tpu.dot_dimension_numbers<[1], [0], [0], [1], [0, 0, 1, 1], [], []>, transpose_lhs_hint = false} : vector<4096x3xbf16>, vector<3x64xbf16>, vector<4096x64xf32> -> vector<4096x64xf32>
    %get3A_12 = arith.constant 0 : index
    %get3A_13 = arith.constant 0 : index
    %get3A_14 = vector.load %arg5[%get3A_12, %get3A_13] : memref<1x64xf32, #tpu.memory_space<vmem>>, vector<1x64xf32>
    %add3A = vector.broadcast %get3A_14 : vector<1x64xf32> to vector<4096x64xf32>
    %add3A_15 = arith.addf %dot_general3A_11, %add3A : vector<4096x64xf32>
    %max3A = arith.constant 0.000000e+00 : f32
    %max3A_16 = vector.broadcast %max3A : f32 to vector<4096x64xf32>
    %max3A_17 = arith.maximumf %add3A_15, %max3A_16 : vector<4096x64xf32>
    %convert_element_type3A_18 = arith.truncf %max3A_17 : vector<4096x64xf32> to vector<4096x64xbf16>
    %get3A_19 = arith.constant 0 : index
    %get3A_20 = arith.constant 0 : index
    %get3A_21 = vector.load %arg6[%get3A_19, %get3A_20] : memref<64x128xf32, #tpu.memory_space<vmem>>, vector<64x128xf32>
    %convert_element_type3A_22 = arith.truncf %get3A_21 : vector<64x128xf32> to vector<64x128xbf16>
    %dot_general3A_23 = arith.constant dense<0.000000e+00> : vector<4096x128xf32>
    %dot_general3A_24 = tpu.matmul %convert_element_type3A_18, %convert_element_type3A_22, %dot_general3A_23 {dimension_numbers = #tpu.dot_dimension_numbers<[1], [0], [0], [1], [0, 0, 1, 1], [], []>, transpose_lhs_hint = false} : vector<4096x64xbf16>, vector<64x128xbf16>, vector<4096x128xf32> -> vector<4096x128xf32>
    %get3A_25 = arith.constant 0 : index
    %get3A_26 = arith.constant 0 : index
    %get3A_27 = vector.load %arg7[%get3A_25, %get3A_26] : memref<1x128xf32, #tpu.memory_space<vmem>>, vector<1x128xf32>
    %add3A_28 = vector.broadcast %get3A_27 : vector<1x128xf32> to vector<4096x128xf32>
    %add3A_29 = arith.addf %dot_general3A_24, %add3A_28 : vector<4096x128xf32>
    %max3A_30 = arith.constant 0.000000e+00 : f32
    %max3A_31 = vector.broadcast %max3A_30 : f32 to vector<4096x128xf32>
    %max3A_32 = arith.maximumf %add3A_29, %max3A_31 : vector<4096x128xf32>
    %convert_element_type3A_33 = arith.truncf %max3A_32 : vector<4096x128xf32> to vector<4096x128xbf16>
    %get3A_34 = arith.constant 0 : index
    %get3A_35 = arith.constant 0 : index
    %get3A_36 = vector.load %arg8[%get3A_34, %get3A_35] : memref<128x256xf32, #tpu.memory_space<vmem>>, vector<128x256xf32>
    %convert_element_type3A_37 = arith.truncf %get3A_36 : vector<128x256xf32> to vector<128x256xbf16>
    %dot_general3A_38 = arith.constant dense<0.000000e+00> : vector<4096x256xf32>
    %dot_general3A_39 = tpu.matmul %convert_element_type3A_33, %convert_element_type3A_37, %dot_general3A_38 {dimension_numbers = #tpu.dot_dimension_numbers<[1], [0], [0], [1], [0, 0, 1, 1], [], []>, transpose_lhs_hint = false} : vector<4096x128xbf16>, vector<128x256xbf16>, vector<4096x256xf32> -> vector<4096x256xf32>
    %get3A_40 = arith.constant 0 : index
    %get3A_41 = arith.constant 0 : index
    %get3A_42 = vector.load %arg9[%get3A_40, %get3A_41] : memref<1x256xf32, #tpu.memory_space<vmem>>, vector<1x256xf32>
    %add3A_43 = vector.broadcast %get3A_42 : vector<1x256xf32> to vector<4096x256xf32>
    %add3A_44 = arith.addf %dot_general3A_39, %add3A_43 : vector<4096x256xf32>
    %reshape3A = vector.shape_cast %add3A_44 : vector<4096x256xf32> to vector<128x32x256xf32>
    %reduce_max3A = arith.constant dense<0xFF800000> : vector<128x256xf32>
    %reduce_max3A_45 = vector.multi_reduction <maximumf>, %reshape3A, %reduce_max3A [1] : vector<128x32x256xf32> to vector<128x256xf32>
    %convert_element_type3A_46 = arith.truncf %reduce_max3A_45 : vector<128x256xf32> to vector<128x256xbf16>
    %get3A_47 = arith.constant 0 : index
    %get3A_48 = arith.constant 0 : index
    %get3A_49 = vector.load %arg10[%get3A_47, %get3A_48] : memref<256x128xf32, #tpu.memory_space<vmem>>, vector<256x128xf32>
    %convert_element_type3A_50 = arith.truncf %get3A_49 : vector<256x128xf32> to vector<256x128xbf16>
    %dot_general3A_51 = arith.constant dense<0.000000e+00> : vector<128x128xf32>
    %dot_general3A_52 = tpu.matmul %convert_element_type3A_46, %convert_element_type3A_50, %dot_general3A_51 {dimension_numbers = #tpu.dot_dimension_numbers<[1], [0], [0], [1], [0, 0, 1, 1], [], []>, transpose_lhs_hint = false} : vector<128x256xbf16>, vector<256x128xbf16>, vector<128x128xf32> -> vector<128x128xf32>
    %get3A_53 = arith.constant 0 : index
    %get3A_54 = arith.constant 0 : index
    %get3A_55 = vector.load %arg11[%get3A_53, %get3A_54] : memref<1x128xf32, #tpu.memory_space<vmem>>, vector<1x128xf32>
    %add3A_56 = vector.broadcast %get3A_55 : vector<1x128xf32> to vector<128x128xf32>
    %add3A_57 = arith.addf %dot_general3A_52, %add3A_56 : vector<128x128xf32>
    %max3A_58 = arith.constant 0.000000e+00 : f32
    %max3A_59 = vector.broadcast %max3A_58 : f32 to vector<128x128xf32>
    %max3A_60 = arith.maximumf %add3A_57, %max3A_59 : vector<128x128xf32>
    %convert_element_type3A_61 = arith.truncf %max3A_60 : vector<128x128xf32> to vector<128x128xbf16>
    %get3A_62 = arith.constant 0 : index
    %get3A_63 = arith.constant 0 : index
    %get3A_64 = vector.load %arg12[%get3A_62, %get3A_63] : memref<128x64xf32, #tpu.memory_space<vmem>>, vector<128x64xf32>
    %convert_element_type3A_65 = arith.truncf %get3A_64 : vector<128x64xf32> to vector<128x64xbf16>
    %dot_general3A_66 = arith.constant dense<0.000000e+00> : vector<128x64xf32>
    %dot_general3A_67 = tpu.matmul %convert_element_type3A_61, %convert_element_type3A_65, %dot_general3A_66 {dimension_numbers = #tpu.dot_dimension_numbers<[1], [0], [0], [1], [0, 0, 1, 1], [], []>, transpose_lhs_hint = false} : vector<128x128xbf16>, vector<128x64xbf16>, vector<128x64xf32> -> vector<128x64xf32>
    %get3A_68 = arith.constant 0 : index
    %get3A_69 = arith.constant 0 : index
    %get3A_70 = vector.load %arg13[%get3A_68, %get3A_69] : memref<1x64xf32, #tpu.memory_space<vmem>>, vector<1x64xf32>
    %add3A_71 = vector.broadcast %get3A_70 : vector<1x64xf32> to vector<128x64xf32>
    %add3A_72 = arith.addf %dot_general3A_67, %add3A_71 : vector<128x64xf32>
    %max3A_73 = arith.constant 0.000000e+00 : f32
    %max3A_74 = vector.broadcast %max3A_73 : f32 to vector<128x64xf32>
    %max3A_75 = arith.maximumf %add3A_72, %max3A_74 : vector<128x64xf32>
    %convert_element_type3A_76 = arith.truncf %max3A_75 : vector<128x64xf32> to vector<128x64xbf16>
    %get3A_77 = arith.constant 0 : index
    %get3A_78 = arith.constant 0 : index
    %get3A_79 = vector.load %arg14[%get3A_77, %get3A_78] : memref<64x48xf32, #tpu.memory_space<vmem>>, vector<64x48xf32>
    %convert_element_type3A_80 = arith.truncf %get3A_79 : vector<64x48xf32> to vector<64x48xbf16>
    %dot_general3A_81 = arith.constant dense<0.000000e+00> : vector<128x48xf32>
    %dot_general3A_82 = tpu.matmul %convert_element_type3A_76, %convert_element_type3A_80, %dot_general3A_81 {dimension_numbers = #tpu.dot_dimension_numbers<[1], [0], [0], [1], [0, 0, 1, 1], [], []>, transpose_lhs_hint = false} : vector<128x64xbf16>, vector<64x48xbf16>, vector<128x48xf32> -> vector<128x48xf32>
    %get3A_83 = arith.constant 0 : index
    %get3A_84 = arith.constant 0 : index
    %get3A_85 = vector.load %arg15[%get3A_83, %get3A_84] : memref<1x48xf32, #tpu.memory_space<vmem>>, vector<1x48xf32>
    %add3A_86 = vector.broadcast %get3A_85 : vector<1x48xf32> to vector<128x48xf32>
    %add3A_87 = arith.addf %dot_general3A_82, %add3A_86 : vector<128x48xf32>
    %mul3A = arith.constant 2.200000e-01 : f32
    %mul3A_88 = vector.broadcast %mul3A : f32 to vector<128x48xf32>
    %mul3A_89 = arith.mulf %add3A_87, %mul3A_88 : vector<128x48xf32>
    %get3A_90 = arith.constant 0 : index
    %get3A_91 = arith.constant 0 : index
    %get3A_92 = vector.load %arg3[%get3A_90, %get3A_91] : memref<128x48xf32, #tpu.memory_space<vmem>>, vector<128x48xf32>
    %add3A_93 = arith.addf %mul3A_89, %get3A_92 : vector<128x48xf32>
    %swap3A = arith.constant 0 : index
    %swap3A_94 = arith.constant 0 : index
    %swap3A_95 = vector.load %arg16[%swap3A, %swap3A_94] : memref<128x48xf32, #tpu.memory_space<vmem>>, vector<128x48xf32>
    tpu.vector_store %arg16[%swap3A, %swap3A_94], %add3A_93 {strides = array<i32>} : memref<128x48xf32, #tpu.memory_space<vmem>>, vector<128x48xf32>,
    return
  }
  func.func @transform_0(%arg0: i32) -> (i32, i32) {
    %c0_i32 = arith.constant 0 : i32
    %c0_i32_0 = arith.constant 0 : i32
    return %arg0, %c0_i32 : i32, i32
  }
  func.func @transform_1(%arg0: i32) -> (i32, i32) {
    %c0_i32 = arith.constant 0 : i32
    %c0_i32_0 = arith.constant 0 : i32
    return %arg0, %c0_i32 : i32, i32
  }
  func.func @transform_2(%arg0: i32) -> (i32, i32) {
    %c0_i32 = arith.constant 0 : i32
    %c0_i32_0 = arith.constant 0 : i32
    return %arg0, %c0_i32 : i32, i32
  }
  func.func @transform_3(%arg0: i32) -> (i32, i32) {
    %c0_i32 = arith.constant 0 : i32
    %c0_i32_0 = arith.constant 0 : i32
    %c0_i32_1 = arith.constant 0 : i32
    return %c0_i32, %c0_i32_0 : i32, i32
  }
  func.func @transform_4(%arg0: i32) -> (i32, i32) {
    %c0_i32 = arith.constant 0 : i32
    %c0_i32_0 = arith.constant 0 : i32
    %c0_i32_1 = arith.constant 0 : i32
    return %c0_i32, %c0_i32_0 : i32, i32
  }
  func.func @transform_5(%arg0: i32) -> (i32, i32) {
    %c0_i32 = arith.constant 0 : i32
    %c0_i32_0 = arith.constant 0 : i32
    %c0_i32_1 = arith.constant 0 : i32
    return %c0_i32, %c0_i32_0 : i32, i32
  }
  func.func @transform_6(%arg0: i32) -> (i32, i32) {
    %c0_i32 = arith.constant 0 : i32
    %c0_i32_0 = arith.constant 0 : i32
    %c0_i32_1 = arith.constant 0 : i32
    return %c0_i32, %c0_i32_0 : i32, i32
  }
  func.func @transform_7(%arg0: i32) -> (i32, i32) {
    %c0_i32 = arith.constant 0 : i32
    %c0_i32_0 = arith.constant 0 : i32
    %c0_i32_1 = arith.constant 0 : i32
    return %c0_i32, %c0_i32_0 : i32, i32
  }
  func.func @transform_8(%arg0: i32) -> (i32, i32) {
    %c0_i32 = arith.constant 0 : i32
    %c0_i32_0 = arith.constant 0 : i32
    %c0_i32_1 = arith.constant 0 : i32
    return %c0_i32, %c0_i32_0 : i32, i32
  }
  func.func @transform_9(%arg0: i32) -> (i32, i32) {
    %c0_i32 = arith.constant 0 : i32
    %c0_i32_0 = arith.constant 0 : i32
    %c0_i32_1 = arith.constant 0 : i32
    return %c0_i32, %c0_i32_0 : i32, i32
  }
  func.func @transform_10(%arg0: i32) -> (i32, i32) {
    %c0_i32 = arith.constant 0 : i32
    %c0_i32_0 = arith.constant 0 : i32
    %c0_i32_1 = arith.constant 0 : i32
    return %c0_i32, %c0_i32_0 : i32, i32
  }
  func.func @transform_11(%arg0: i32) -> (i32, i32) {
    %c0_i32 = arith.constant 0 : i32
    %c0_i32_0 = arith.constant 0 : i32
    %c0_i32_1 = arith.constant 0 : i32
    return %c0_i32, %c0_i32_0 : i32, i32
  }
  func.func @transform_12(%arg0: i32) -> (i32, i32) {
    %c0_i32 = arith.constant 0 : i32
    %c0_i32_0 = arith.constant 0 : i32
    %c0_i32_1 = arith.constant 0 : i32
    return %c0_i32, %c0_i32_0 : i32, i32
  }
  func.func @transform_13(%arg0: i32) -> (i32, i32) {
    %c0_i32 = arith.constant 0 : i32
    %c0_i32_0 = arith.constant 0 : i32
    %c0_i32_1 = arith.constant 0 : i32
    return %c0_i32, %c0_i32_0 : i32, i32
  }
  func.func @transform_14(%arg0: i32) -> (i32, i32) {
    %c0_i32 = arith.constant 0 : i32
    %c0_i32_0 = arith.constant 0 : i32
    %c0_i32_1 = arith.constant 0 : i32
    return %c0_i32, %c0_i32_0 : i32, i32
  }
  func.func @transform_15(%arg0: i32) -> (i32, i32) {
    %c0_i32 = arith.constant 0 : i32
    %c0_i32_0 = arith.constant 0 : i32
    return %arg0, %c0_i32 : i32, i32
  }
}

</mosaic_0001>

<sc_bundles>
// kernel: kernel.6.cloned.1.call-start
scs
__scs_entry_jumppad:
0x0: {  	(pc) =	sbr.rel $0x88, $3  }
0x1: {  	(tag) =	ssettag $0x0;
	lr =	simm.s32 $0x1  }
0x2: {  	[smem:$0x3F94] =	sst lr;
	_ =	strace $0xD0000000  }
0x3: {  	_ = 	snop  }
0x4: {  	_ = 	snop  }
0x5: {  	_ = 	snop  }
0x6: {  	_ = 	snop  }
0x7: {  	_ = 	snop  }
__scs_overlays_trampoline_lowered:
0x8: {  	[smem:$0x3FA3] =	sst s0  }
0x9: {  	[smem:$0x3FA4] =	sst s1  }
0xa: {  	[smem:$0x3FA5] =	sst s2  }
0xb: {  	[smem:$0x3FA6] =	sst s3  }
0xc: {  	[smem:$0x3FA7] =	sst s4  }
0xd: {  	[smem:$0x3FA8] =	sst s5  }
0xe: {  	[smem:$0x3FA9] =	sst s6  }
0xf: {  	[smem:$0x3FAA] =	sst s7  }
0x10: {  	[smem:$0x3FAB] =	sst s8  }
0x11: {  	[smem:$0x3FAC] =	sst s9;
	s0 =	simm.s32 @!p0 $0x0  }
0x12: {  	s1 =	sld [smem:$0x3F92];
	s0 =	simm.s32 @p0 $0x1  }
0x13: {  	[smem:$0x3FAD] =	sst s0;
	s0 =	simm.s32 @!p1 $0x0  }
0x14: {  	s2 =	sld [smem:$0x3F91];
	s0 =	simm.s32 @p1 $0x1  }
0x15: {  	[smem:$0x3FAE] =	sst s0;
	s0 =	simm.s32 @!p2 $0x0  }
0x16: {  	s3 =	sld [smem:$0x3FDB];
	s0 =	simm.s32 @p2 $0x1  }
0x17: {  	s4 =	simm.s32 $0x1BF5;
	[smem:$0x3FB0] =	sst s0  }
0x18: {  	s0 =	sld [smem:$0x3F93];
	_ =	swait.ge [sflag:s4], $0x0  }
0x19: {  	s7 =	sld [smem:$0x3F94]  }
0x1a: {  	s8 =	sadd.s32 $0xFFFFE003, lr  }
0x1b: {  	s9 =	sadd.s32 $0xFFFFFEF7, lr;
	s5 =	simm.s32 $0xFFFFFFFF;
	p2 =	slt.u32 s8, $0xFFFFF086  }
0x1c: {  	p1 =	slt.u32 s9, $0xF7A;
	s5 =	simm.s32 @!p2 $0x0  }
0x1d: {  	s5 =	simm.s32 @p1 $0x1;
	p0 =	seq.s32 s7, s2  }
0x1e: {  	s7 =	smul.u32 @!p0 $0xF7A, s2;
	p2 =	seq.s32 @!p0 s5, $0x0  }
0x1f: {  	s9 =	smul.u32 $0xF7A, s1;
	s8 =	simm.s32 @!p0 $0x1BF5;
	p2 =	por !p2, p0  }
0x20: {  	[sflag:s8] =	ssyncset.s32 @!p0 $0xFFFFF086;
	s6 =	sadd.s32 @!p0 s3, s7;
	s7 =	simm.s32 @!p0 $0x108  }
0x21: {  	s3 =	sadd.s32 s3, s9;
	s6 =	sadd.s32 @!p0 $0x88, s6;
	s7 =	simm.s32 @p2 $0x1082  }
0x22: {  	[simem:s7], [sflag:s8] =	dma.local @!p0 [hbm:s6], $0xF7A  }
0x23: {  	s9 =	sor.u32 $0xD0000000, s2;
	s6 =	simm.s32 $0x108;
	_ =	swait.ge @!p0 [sflag:s8], $0x0  }
0x24: {  	s3 =	sadd.s32 $0x88, s3;
	s6 =	simm.s32 @!p1 $0x1082;
	[sflag:s4] =	ssyncset.s32 $0xFFFFF086  }
0x25: {  	[simem:s6], [sflag:s4] =	dma.local [hbm:s3], $0xF7A  }
0x26: {  	[smem:$0x3F94] =	sst s1;
	(tag) =	ssettag s2;
	_ =	strace s9  }
0x27: {  	s1 =	sld [smem:$0x3FA4]  }
0x28: {  	s2 =	sld [smem:$0x3FA5]  }
0x29: {  	s4 =	sld [smem:$0x3FA7]  }
0x2a: {  	p0 =	seq.s32 s5, $0x0;
	s5 =	sld [smem:$0x3FA8]  }
0x2b: {  	s6 =	sld [smem:$0x3FA9]  }
0x2c: {  	s7 =	sld [smem:$0x3FAA]  }
0x2d: {  	s3 =	simm.s32 $0x108;
	s8 =	sld [smem:$0x3FAB]  }
0x2e: {  	s3 =	simm.s32 @!p0 $0x1082;
	s9 =	sld [smem:$0x3FAC]  }
0x2f: {  	lr =	sadd.s32 s0, s3;
	s0 =	sld [smem:$0x3FA3]  }
0x30: {  	s3 =	sld [smem:$0x3FA6]  }
0x31: {  	[smem:$0x3FAF] =	sst s10  }
0x32: {  	s10 =	sld [smem:$0x3FAD];
	_ =	sdelay $0x3  }
0x33: {  	p0 =	seq.s32 s10, $0x1;
	s10 =	sld [smem:$0x3FAF];
	_ =	sdelay $0x3  }
0x34: {  	[smem:$0x3FAF] =	sst s10  }
0x35: {  	s10 =	sld [smem:$0x3FAE];
	_ =	sdelay $0x3  }
0x36: {  	p1 =	seq.s32 s10, $0x1;
	s10 =	sld [smem:$0x3FAF];
	_ =	sdelay $0x3  }
0x37: {  	[smem:$0x3FAF] =	sst s10  }
0x38: {  	s10 =	sld [smem:$0x3FB0]  }
0x39: {  	_ = 	snop;
	(pc) =	sbr.ind lr, $3  }
0x3a: {  	_ = 	snop  }
0x3b: {  	_ = 	snop  }
0x3c: {  	p2 =	seq.s32 s10, $0x1;
	s10 =	sld [smem:$0x3FAF]  }
0x3d: {  	_ =	shalt  }
0x3e: {  	_ =	shalt  }
0x3f: {  	_ =	shalt  }
0x40: {  	_ =	shalt  }
0x41: {  	_ =	shalt  }
0x42: {  	_ =	shalt  }
0x43: {  	_ =	shalt  }
0x44: {  	_ =	shalt  }
0x45: {  	_ =	shalt  }
0x46: {  	_ =	shalt  }
0x47: {  	_ =	shalt  }
0x48: {  	_ =	shalt  }
0x49: {  	_ =	shalt  }
0x4a: {  	_ =	shalt  }
0x4b: {  	_ =	shalt  }
0x4c: {  	_ =	shalt  }
0x4d: {  	_ =	shalt  }
0x4e: {  	_ =	shalt  }
0x4f: {  	_ =	shalt  }
0x50: {  	_ =	shalt  }
0x51: {  	_ =	shalt  }
0x52: {  	_ =	shalt  }
0x53: {  	_ =	shalt  }
0x54: {  	_ =	shalt  }
0x55: {  	_ =	shalt  }
0x56: {  	_ =	shalt  }
0x57: {  	_ =	shalt  }
0x58: {  	_ =	shalt  }
0x59: {  	_ =	shalt  }
0x5a: {  	_ =	shalt  }
0x5b: {  	_ =	shalt  }
0x5c: {  	_ =	shalt  }
0x5d: {  	_ =	shalt  }
0x5e: {  	_ =	shalt  }
0x5f: {  	_ =	shalt  }
0x60: {  	_ =	shalt  }
0x61: {  	_ =	shalt  }
0x62: {  	_ =	shalt  }
0x63: {  	_ =	shalt  }
0x64: {  	_ =	shalt  }
0x65: {  	_ =	shalt  }
0x66: {  	_ =	shalt  }
0x67: {  	_ =	shalt  }
0x68: {  	_ =	shalt  }
0x69: {  	_ =	shalt  }
0x6a: {  	_ =	shalt  }
0x6b: {  	_ =	shalt  }
0x6c: {  	_ =	shalt  }
0x6d: {  	_ =	shalt  }
0x6e: {  	_ =	shalt  }
0x6f: {  	_ =	shalt  }
0x70: {  	_ =	shalt  }
0x71: {  	_ =	shalt  }
0x72: {  	_ =	shalt  }
0x73: {  	_ =	shalt  }
0x74: {  	_ =	shalt  }
0x75: {  	_ =	shalt  }
0x76: {  	_ =	shalt  }
0x77: {  	_ =	shalt  }
0x78: {  	_ =	shalt  }
0x79: {  	_ =	shalt  }
0x7a: {  	_ =	shalt  }
0x7b: {  	_ =	shalt  }
0x7c: {  	_ =	shalt  }
0x7d: {  	_ =	shalt  }
0x7e: {  	_ =	shalt  }
0x7f: {  	_ =	shalt  }
0x80: {  	_ =	shalt  }
0x81: {  	_ =	shalt  }
0x82: {  	_ =	shalt  }
0x83: {  	_ =	shalt  }
0x84: {  	_ =	shalt  }
0x85: {  	_ =	shalt  }
0x86: {  	_ =	shalt  }
0x87: {  	_ =	shalt  }
.Lfunc_end0:
.L_simem_size_0:
called_computation_lowered:
.L_overlay_start_0:
0x88: {  	s2 =	sld [smem:$0x3FD9]  }
0x89: {  	s3 =	sld [smem:$0x3FFE];
	_ =	sdelay $0x1  }
0x8a: {  	s1 =	srdreg.scid  }
0x8b: {  	s0 =	sand.u32 $0x1, s1  }
0x8c: {  	s14 =	sshll.u32 s0, $0xA;
	s2 =	sadd.s32 s3, s2  }
0x8d: {  	s2 =	sadd.s32 s2, s14  }
0x8e: {  	[smem:$0x3FBB] =	sst s2  }
0x8f: {  	_ = 	snop  }
0x90: {  	s2 =	sld [smem:$0x3FD0];
	_ =	sdelay $0x2  }
0x91: {  	s15 =	simm.s32 $0xA;
	s4 =	simm.s32 $0x10  }
0x92: {  	[smem:s4], [sflag:s15] =	dma.local [hbm:s2], $0x1  }
0x93: {  	_ =	swait.eq [sflag:s15], $0x1  }
0x94: {  	[sflag:s15] =	ssyncset.done $0x0  }
0x95: {  	[sflag:s15] =	ssyncadd.s32 $0xFFFFFFFF  }
0x96: {  	s16 =	sld [smem:$0x12];
	(tm) =	ssettm $0x1  }
0x97: {  	s17 =	sld [smem:$0x3FFB];
	_ =	sdelay $0x3  }
0x98: {  	_ =	strace s17  }
0x99: {  	s3 =	sld [smem:$0x3FFC];
	_ =	sdelay $0x3  }
0x9a: {  	_ =	strace s3  }
0x9b: {  	s3 =	sld [smem:$0x3FFD];
	_ =	sdelay $0x3  }
0x9c: {  	_ =	strace s3  }
0x9d: {  	_ =	strace $0x8FFFFFFF  }
0x9e: {  	s18 =	sld [smem:$0x3FDB];
	_ =	sdelay $0x1  }
0x9f: {  	s19 =	simm.s32 $_scs_section_size  }
0xa0: {  	s5 =	simm.s32 $_size__tile_overlayer_lowered;
	s6 =	simm.s32 $_tile_overlayer_lowered  }
0xa1: {  	s22 =	simm.s32 $0x1BFF;
	s21 =	sshll.u32 s6, $0x1;
	s3 =	sadd.s32 s19, s18  }
0xa2: {  	s7 =	simm.s32 $0x0;
	s20 =	sshll.u32 s5, $0x1;
	s5 =	sadd.s32 s21, s3  }
0xa3: {  	[timem:s7], [sflag:s22] =	dma.local [hbm:s5], s20  }
0xa4: {  	_ =	swait.ge [sflag:s22], s20  }
0xa5: {  	s4 =	ssub.s32 $0x0, s20;
	[sflag:s22] =	ssyncset.done $0x0  }
0xa6: {  	[sflag:s22] =	ssyncadd.s32 s4;
	_ =	sdelay $0x1  }
0xa7: {  	s23 =	simm.s32 $0x1B8B  }
0xa8: {  	_ =	swait.ge [sflag:s23], $0x1  }
0xa9: {  	[sflag:s23] =	ssyncset.done $0x0  }
0xaa: {  	s25 =	simm.s32 $0x1B8E;
	s24 =	sld [smem:$0x3FFE];
	[sflag:s23] =	ssyncadd.s32 $0xFFFFFFFF  }
0xab: {  	s26 =	simm.s32 $execute0_lowered;
	[smem:$0x3FD2] =	sst s25  }
0xac: {  	s5 =	sshll.u32 s26, $0x1;
	_ =	strace $0x80000046;
	[dreg:$0x1] =	wrdreg $0xFFFFFFFF  }
0xad: {  	s28 =	simm.s32 $_size_execute0_lowered;
	s3 =	sadd.s32 s3, s5;
	[dreg:$0x0] =	wrdreg $0x0  }
0xae: {  	s5 =	sshll.u32 s28, $0x1;
	[dreg:$0x2] =	wrdreg s3  }
0xaf: {  	[dreg:$0x3] =	wrdreg s5  }
0xb0: {  	[dreg:$0x4] =	wrdreg $0xC0  }
0xb1: {  	_ =	task [dreg:s7], $0x5FFFF  }
0xb2: {  	[dreg:$0x1] =	wrdreg $0xFFFFFFFF  }
0xb3: {  	[dreg:$0x0] =	wrdreg $0x60  }
0xb4: {  	[dreg:$0x2] =	wrdreg s24  }
0xb5: {  	[dreg:$0x3] =	wrdreg s16  }
0xb6: {  	[dreg:$0x4] =	wrdreg $0x9  }
0xb7: {  	_ =	task.clear_ibuf [dreg:s7], $0x5FFFF;
	_ =	strace $0x90000046  }
0xb8: {  	s29 =	simm.s32 $0x9;
	_ =	strace $0x80000048  }
0xb9: {  	_ =	swait.ge [sflag:s29], $0x1  }
0xba: {  	[sflag:s29] =	ssyncadd.s32 $0xFFFFFFFF  }
0xbb: {  	_ =	strace $0x90000048  }
0xbc: {  	_ =	sfence  }
0xbd: {  	s30 =	sld [smem:$0x0];
	_ =	sdelay $0x2  }
0xbe: {  	s31 =	sshll.u32 s1, $0xD;
	s1 =	sshrl.u32 s1, $0x2  }
0xbf: {  	s3 =	sand.u32 $0x4000, s31;
	s1 =	sadd.s32 s1, s30  }
0xc0: {  	s0 =	sor.u32 s3, s0;
	s1 =	sshll.u32 s1, $0x11  }
0xc1: {  	s0 =	sor.u32 s1, s0  }
0xc2: {  	s0 =	sadd.s32 $0x8F2B, s0  }
0xc3: {  	[sflag:s0] =	ssyncadd.remote.s32 $0x1  }
0xc4: {  	_ =	sfence.sel $0xFFFF  }
0xc5: {  	[dreg:$0x0] =	wrdreg $0xFFFFFFFF;
	(pc) =	sbr.abs _section_cstart, $3  }
0xc6: {  	[dreg:$0x1] =	wrdreg $0xFFFFFFFF  }
0xc7: {  	_ =	task.clear_ibuf [dreg:s7], $0x2FFFF;
	_ =	strace $0x9FFFFFFF  }
0xc8: {  	(tm) =	ssettm $0x7FFFFFFF  }
0xc9: {  	_ =	shalt  }
tec
execute0_lowered:
.L_overlay_start_1:
0x0: {  	(tag) =	ssettag $0x1  }
0x1: {  	s1 =	srdreg.scid  }
0x2: {  	s10 =	rddreg [dreg:$0x0];
	s0 =	stileid.u32;
	s24 =	sand.u32 $0x1, s1  }
0x3: {  	s3 =	rddreg [dreg:$0x1];
	s4 =	sshll.u32 s0, $0xB;
	s5 =	sshll.u32 s24, $0xA  }
0x4: {  	s2 =	simm.s32 $0x0;
	s1 =	rddreg [dreg:$0x2];
	s11 =	sor.u32 s5, s4  }
0x5: {  	[smem:$0x7FF] =	sst s2;
	s4 =	sshrl.u32 s11, $0x3  }
0x6: {  	_ =	strace $0x80000047;
	s4 =	sadd.s32 s3, s4;
	s3 =	simm.s32 $0x3  }
0x7: {  	[tilespmem:s2], [sflag:$0x3] =	stream.linear.gather [hbm4b:s4+s2], $0x400, $0x38;
	[tilespmem:$0x8400] =	vst v63  }
0x8: {  	_ =	swait.ge [sflag:s3], $0x400  }
0x9: {  	s6 =	simm.s32 $0x80;
	[sflag:s3] =	ssyncset.done $0x0  }
0xa: {  	s7 =	simm.s32 $0x400;
	s5 =	sadd.s32 $0x2400, s10;
	[sflag:s3] =	ssyncadd.s32 $0xFFFFFC00  }
0xb: {  	[tilespmem:s7], [sflag:$0x1] =	stream.indirect.gather [hbm4b:s5+s6], $0x80, s2, s6, $0xb8;
	[tilespmem:$0x8400] =	vst v63  }
0xc: {  	s8 =	simm.s32 $0x4400;
	s9 =	simm.s32 $0x1  }
0xd: {  	[tilespmem:s8], [sflag:$0x2] =	stream.indirect.gather [hbm4b:s5+s6], $0x80, s6, s6, $0xb8;
	[tilespmem:$0x8400] =	vst v63  }
0xe: {  	s11 =	sshll.u32 s11, $0x4;
	_ =	swait.ge [sflag:s9], $0x4000  }
0xf: {  	s25 =	sadd.s32 s11, s10;
	[sflag:s9] =	ssyncset.done $0x0  }
0x10: {  	s10 =	sadd.s32 $0x42400, s25;
	[sflag:s9] =	ssyncadd.s32 $0xFFFFC000  }
0x11: {  	[hbm4b:s10+s2] =	stream.linear.scatter [tilespmem:s7], [sflag:$0x3], $0x4000, $0x38;
	[tilespmem:$0x8400] =	vst v63  }
0x12: {  	_ =	swait.ge [sflag:s3], $0x4000  }
0x13: {  	[sflag:s3] =	ssyncset.done $0x0  }
0x14: {  	s12 =	simm.s32 $0x2;
	s11 =	simm.s32 $0x100;
	[sflag:s3] =	ssyncadd.s32 $0xFFFFC000  }
0x15: {  	[tilespmem:s7], [sflag:$0x1] =	stream.indirect.gather [hbm4b:s5+s6], $0x80, s11, s6, $0xb8;
	[tilespmem:$0x8400] =	vst v63  }
0x16: {  	_ =	swait.ge [sflag:s12], $0x4000  }
0x17: {  	[sflag:s12] =	ssyncset.done $0x0  }
0x18: {  	s13 =	sadd.s32 $0x42C00, s25;
	[sflag:s12] =	ssyncadd.s32 $0xFFFFC000  }
0x19: {  	[hbm4b:s13+s2] =	stream.linear.scatter [tilespmem:s8], [sflag:$0x3], $0x4000, $0x38;
	[tilespmem:$0x8400] =	vst v63  }
0x1a: {  	_ =	swait.ge [sflag:s3], $0x4000  }
0x1b: {  	[sflag:s3] =	ssyncset.done $0x0  }
0x1c: {  	s14 =	simm.s32 $0x180;
	[sflag:s3] =	ssyncadd.s32 $0xFFFFC000  }
0x1d: {  	[tilespmem:s8], [sflag:$0x2] =	stream.indirect.gather [hbm4b:s5+s6], $0x80, s14, s6, $0xb8;
	[tilespmem:$0x8400] =	vst v63  }
0x1e: {  	_ =	swait.ge [sflag:s9], $0x4000  }
0x1f: {  	[sflag:s9] =	ssyncset.done $0x0  }
0x20: {  	s15 =	sadd.s32 $0x43400, s25;
	[sflag:s9] =	ssyncadd.s32 $0xFFFFC000  }
0x21: {  	[hbm4b:s15+s2] =	stream.linear.scatter [tilespmem:s7], [sflag:$0x3], $0x4000, $0x38;
	[tilespmem:$0x8400] =	vst v63  }
0x22: {  	_ =	swait.ge [sflag:s3], $0x4000  }
0x23: {  	[sflag:s3] =	ssyncset.done $0x0  }
0x24: {  	s16 =	simm.s32 $0x200;
	[sflag:s3] =	ssyncadd.s32 $0xFFFFC000  }
0x25: {  	[tilespmem:s7], [sflag:$0x1] =	stream.indirect.gather [hbm4b:s5+s6], $0x80, s16, s6, $0xb8;
	[tilespmem:$0x8400] =	vst v63  }
0x26: {  	_ =	swait.ge [sflag:s12], $0x4000  }
0x27: {  	[sflag:s12] =	ssyncset.done $0x0  }
0x28: {  	s17 =	sadd.s32 $0x43C00, s25;
	[sflag:s12] =	ssyncadd.s32 $0xFFFFC000  }
0x29: {  	[hbm4b:s17+s2] =	stream.linear.scatter [tilespmem:s8], [sflag:$0x3], $0x4000, $0x38;
	[tilespmem:$0x8400] =	vst v63  }
0x2a: {  	_ =	swait.ge [sflag:s3], $0x4000  }
0x2b: {  	[sflag:s3] =	ssyncset.done $0x0  }
0x2c: {  	s18 =	simm.s32 $0x280;
	[sflag:s3] =	ssyncadd.s32 $0xFFFFC000  }
0x2d: {  	[tilespmem:s8], [sflag:$0x2] =	stream.indirect.gather [hbm4b:s5+s6], $0x80, s18, s6, $0xb8;
	[tilespmem:$0x8400] =	vst v63  }
0x2e: {  	_ =	swait.ge [sflag:s9], $0x4000  }
0x2f: {  	[sflag:s9] =	ssyncset.done $0x0  }
0x30: {  	s19 =	sadd.s32 $0x44400, s25;
	[sflag:s9] =	ssyncadd.s32 $0xFFFFC000  }
0x31: {  	[hbm4b:s19+s2] =	stream.linear.scatter [tilespmem:s7], [sflag:$0x3], $0x4000, $0x38;
	[tilespmem:$0x8400] =	vst v63  }
0x32: {  	_ =	swait.ge [sflag:s3], $0x4000  }
0x33: {  	[sflag:s3] =	ssyncset.done $0x0  }
0x34: {  	s20 =	simm.s32 $0x300;
	[sflag:s3] =	ssyncadd.s32 $0xFFFFC000  }
0x35: {  	[tilespmem:s7], [sflag:$0x1] =	stream.indirect.gather [hbm4b:s5+s6], $0x80, s20, s6, $0xb8;
	[tilespmem:$0x8400] =	vst v63  }
0x36: {  	_ =	swait.ge [sflag:s12], $0x4000  }
0x37: {  	[sflag:s12] =	ssyncset.done $0x0  }
0x38: {  	s21 =	sadd.s32 $0x44C00, s25;
	[sflag:s12] =	ssyncadd.s32 $0xFFFFC000  }
0x39: {  	[hbm4b:s21+s2] =	stream.linear.scatter [tilespmem:s8], [sflag:$0x3], $0x4000, $0x38;
	[tilespmem:$0x8400] =	vst v63  }
0x3a: {  	_ =	swait.ge [sflag:s3], $0x4000  }
0x3b: {  	[sflag:s3] =	ssyncset.done $0x0  }
0x3c: {  	s22 =	simm.s32 $0x380;
	[sflag:s3] =	ssyncadd.s32 $0xFFFFC000  }
0x3d: {  	[tilespmem:s8], [sflag:$0x2] =	stream.indirect.gather [hbm4b:s5+s6], $0x80, s22, s6, $0xb8;
	[tilespmem:$0x8400] =	vst v63  }
0x3e: {  	_ =	swait.ge [sflag:s9], $0x4000  }
0x3f: {  	[sflag:s9] =	ssyncset.done $0x0  }
0x40: {  	s24 =	ssub.s32 $0x2, s24;
	s23 =	sadd.s32 $0x45400, s25;
	[sflag:s9] =	ssyncadd.s32 $0xFFFFC000  }
0x41: {  	[hbm4b:s23+s2] =	stream.linear.scatter [tilespmem:s7], [sflag:$0x3], $0x4000, $0x38;
	[tilespmem:$0x8400] =	vst v63  }
0x42: {  	s26 =	sshrl.u32 s24, $0x1;
	_ =	swait.ge [sflag:s3], $0x4000  }
0x43: {  	s26 =	ssub.s32 s24, s26;
	[sflag:s3] =	ssyncset.done $0x0  }
0x44: {  	s31 =	smax.u32 s26, $0x1;
	[sflag:s3] =	ssyncadd.s32 $0xFFFFC000  }
0x45: {  	p0 =	sne.s32 s31, $0x1;
	_ =	swait.ge [sflag:s12], $0x4000  }
.Ltmp0:
0x46: {  	[sflag:s12] =	ssyncset.done $0x0;
	(pc) =	sbr.rel @!p0 .LBB2_2-.Ltmp0, $4  }
0x47: {  	s24 =	sadd.s32 $0x45C00, s25;
	[sflag:s12] =	ssyncadd.s32 $0xFFFFC000  }
0x48: {  	[hbm4b:s24+s2] =	stream.linear.scatter [tilespmem:s8], [sflag:$0x3], $0x4000, $0x38;
	[tilespmem:$0x8400] =	vst v63  }
0x49: {  	_ =	swait.ge [sflag:s3], $0x4000  }
0x4a: {  	s25 =	sadd.s32 $0xFFFFFFFF, s31;
	[sflag:s3] =	ssyncset.done $0x0  }
.LBB2_1:
0x4b: {  	p0 =	sne.s32 s25, $0x1;
	s25 =	sadd.s32 $0xFFFFFFFF, s25;
	[sflag:s3] =	ssyncadd.s32 $0xFFFFC000  }
0x4c: {  	[tilespmem:s2], [sflag:$0x3] =	stream.linear.gather [hbm4b:s4+s2], $0x400, $0x38;
	[tilespmem:$0x8400] =	vst v63  }
0x4d: {  	_ =	swait.ge [sflag:s3], $0x400  }
0x4e: {  	[sflag:s3] =	ssyncset.done $0x0  }
0x4f: {  	[sflag:s3] =	ssyncadd.s32 $0xFFFFFC00  }
0x50: {  	[tilespmem:s7], [sflag:$0x1] =	stream.indirect.gather [hbm4b:s5+s6], $0x80, s2, s6, $0xb8;
	[tilespmem:$0x8400] =	vst v63  }
0x51: {  	_ = 	snop  }
0x52: {  	[tilespmem:s8], [sflag:$0x2] =	stream.indirect.gather [hbm4b:s5+s6], $0x80, s6, s6, $0xb8;
	[tilespmem:$0x8400] =	vst v63  }
0x53: {  	_ =	swait.ge [sflag:s9], $0x4000  }
0x54: {  	[sflag:s9] =	ssyncset.done $0x0  }
0x55: {  	[sflag:s9] =	ssyncadd.s32 $0xFFFFC000  }
0x56: {  	[hbm4b:s10+s2] =	stream.linear.scatter [tilespmem:s7], [sflag:$0x3], $0x4000, $0x38;
	[tilespmem:$0x8400] =	vst v63  }
0x57: {  	_ =	swait.ge [sflag:s3], $0x4000  }
0x58: {  	[sflag:s3] =	ssyncset.done $0x0  }
0x59: {  	[sflag:s3] =	ssyncadd.s32 $0xFFFFC000  }
0x5a: {  	[tilespmem:s7], [sflag:$0x1] =	stream.indirect.gather [hbm4b:s5+s6], $0x80, s11, s6, $0xb8;
	[tilespmem:$0x8400] =	vst v63  }
0x5b: {  	_ =	swait.ge [sflag:s12], $0x4000  }
0x5c: {  	[sflag:s12] =	ssyncset.done $0x0  }
0x5d: {  	[sflag:s12] =	ssyncadd.s32 $0xFFFFC000  }
0x5e: {  	[hbm4b:s13+s2] =	stream.linear.scatter [tilespmem:s8], [sflag:$0x3], $0x4000, $0x38;
	[tilespmem:$0x8400] =	vst v63  }
0x5f: {  	_ =	swait.ge [sflag:s3], $0x4000  }
0x60: {  	[sflag:s3] =	ssyncset.done $0x0  }
0x61: {  	[sflag:s3] =	ssyncadd.s32 $0xFFFFC000  }
0x62: {  	[tilespmem:s8], [sflag:$0x2] =	stream.indirect.gather [hbm4b:s5+s6], $0x80, s14, s6, $0xb8;
	[tilespmem:$0x8400] =	vst v63  }
0x63: {  	_ =	swait.ge [sflag:s9], $0x4000  }
0x64: {  	[sflag:s9] =	ssyncset.done $0x0  }
0x65: {  	[sflag:s9] =	ssyncadd.s32 $0xFFFFC000  }
0x66: {  	[hbm4b:s15+s2] =	stream.linear.scatter [tilespmem:s7], [sflag:$0x3], $0x4000, $0x38;
	[tilespmem:$0x8400] =	vst v63  }
0x67: {  	_ =	swait.ge [sflag:s3], $0x4000  }
0x68: {  	[sflag:s3] =	ssyncset.done $0x0  }
0x69: {  	[sflag:s3] =	ssyncadd.s32 $0xFFFFC000  }
0x6a: {  	[tilespmem:s7], [sflag:$0x1] =	stream.indirect.gather [hbm4b:s5+s6], $0x80, s16, s6, $0xb8;
	[tilespmem:$0x8400] =	vst v63  }
0x6b: {  	_ =	swait.ge [sflag:s12], $0x4000  }
0x6c: {  	[sflag:s12] =	ssyncset.done $0x0  }
0x6d: {  	[sflag:s12] =	ssyncadd.s32 $0xFFFFC000  }
0x6e: {  	[hbm4b:s17+s2] =	stream.linear.scatter [tilespmem:s8], [sflag:$0x3], $0x4000, $0x38;
	[tilespmem:$0x8400] =	vst v63  }
0x6f: {  	_ =	swait.ge [sflag:s3], $0x4000  }
0x70: {  	[sflag:s3] =	ssyncset.done $0x0  }
0x71: {  	[sflag:s3] =	ssyncadd.s32 $0xFFFFC000  }
0x72: {  	[tilespmem:s8], [sflag:$0x2] =	stream.indirect.gather [hbm4b:s5+s6], $0x80, s18, s6, $0xb8;
	[tilespmem:$0x8400] =	vst v63  }
0x73: {  	_ =	swait.ge [sflag:s9], $0x4000  }
0x74: {  	[sflag:s9] =	ssyncset.done $0x0  }
0x75: {  	[sflag:s9] =	ssyncadd.s32 $0xFFFFC000  }
0x76: {  	[hbm4b:s19+s2] =	stream.linear.scatter [tilespmem:s7], [sflag:$0x3], $0x4000, $0x38;
	[tilespmem:$0x8400] =	vst v63  }
0x77: {  	_ =	swait.ge [sflag:s3], $0x4000  }
0x78: {  	[sflag:s3] =	ssyncset.done $0x0  }
0x79: {  	[sflag:s3] =	ssyncadd.s32 $0xFFFFC000  }
0x7a: {  	[tilespmem:s7], [sflag:$0x1] =	stream.indirect.gather [hbm4b:s5+s6], $0x80, s20, s6, $0xb8;
	[tilespmem:$0x8400] =	vst v63  }
0x7b: {  	_ =	swait.ge [sflag:s12], $0x4000  }
0x7c: {  	[sflag:s12] =	ssyncset.done $0x0  }
0x7d: {  	[sflag:s12] =	ssyncadd.s32 $0xFFFFC000  }
0x7e: {  	[hbm4b:s21+s2] =	stream.linear.scatter [tilespmem:s8], [sflag:$0x3], $0x4000, $0x38;
	[tilespmem:$0x8400] =	vst v63  }
0x7f: {  	_ =	swait.ge [sflag:s3], $0x4000  }
0x80: {  	[sflag:s3] =	ssyncset.done $0x0  }
0x81: {  	[sflag:s3] =	ssyncadd.s32 $0xFFFFC000  }
0x82: {  	[tilespmem:s8], [sflag:$0x2] =	stream.indirect.gather [hbm4b:s5+s6], $0x80, s22, s6, $0xb8;
	[tilespmem:$0x8400] =	vst v63  }
0x83: {  	_ =	swait.ge [sflag:s9], $0x4000  }
0x84: {  	[sflag:s9] =	ssyncset.done $0x0  }
0x85: {  	[sflag:s9] =	ssyncadd.s32 $0xFFFFC000  }
0x86: {  	[hbm4b:s23+s2] =	stream.linear.scatter [tilespmem:s7], [sflag:$0x3], $0x4000, $0x38;
	[tilespmem:$0x8400] =	vst v63  }
0x87: {  	_ =	swait.ge [sflag:s3], $0x4000  }
0x88: {  	[sflag:s3] =	ssyncset.done $0x0  }
0x89: {  	[sflag:s3] =	ssyncadd.s32 $0xFFFFC000  }
0x8a: {  	_ =	swait.ge [sflag:s12], $0x4000  }
.Ltmp1:
0x8b: {  	[sflag:s12] =	ssyncset.done $0x0;
	(pc) =	sbr.rel @p0 .LBB2_1-.Ltmp1, $4  }
0x8c: {  	[sflag:s12] =	ssyncadd.s32 $0xFFFFC000  }
0x8d: {  	[hbm4b:s24+s2] =	stream.linear.scatter [tilespmem:s8], [sflag:$0x3], $0x4000, $0x38;
	[tilespmem:$0x8400] =	vst v63  }
0x8e: {  	_ =	swait.ge [sflag:s3], $0x4000  }
0x8f: {  	[sflag:s3] =	ssyncset.done $0x0  }
.LBB2_2:
0x90: {  	[sflag:s3] =	ssyncadd.s32 $0xFFFFC000  }
0x91: {  	_ =	sfence.sel $0x180000  }
0x92: {  	[bflag:$0x0] =	sbarrier.arrive $0xFFFF  }
0x93: {  	p0 =	sne.s32 s0, $0x0;
	_ =	strace $0x90000047  }
0x94: {  	s0 =	sadd.s32 @!p0 $0x100000, s1;
	[bflag:$0x2] =	sbarrier.arrive $0xFFFF  }
0x95: {  	[sflag:s0] =	ssyncadd.tile.s32 @!p0 $0x1;
	_ =	shalt  }
.Lfunc_end2:
_tile_overlayer_lowered:
.L_overlay_start_2:
0x96: {  	(tag) =	ssettag $0x2  }
0x97: {  	s0 =	rddreg [dreg:$0x0];
	s2 =	stileid.u32  }
0x98: {  	s1 =	rddreg [dreg:$0x1];
	p0 =	sne.s32 s2, $0x0  }
0x99: {  	s3 =	rddreg [dreg:$0x2];
	[bflag:$0x3] =	sbarrier.arrive $0xFFFF;
	s2 =	simm.s32 @!p0 $0x1C03  }
0x9a: {  	[timem:s3], [sflag:s2] =	dma.local @!p0 [hbm:s0], s1  }
0x9b: {  	s0 =	simm.s32 @!p0 $0x3  }
0x9c: {  	_ =	swait.ge @!p0 [sflag:s0], s1  }
0x9d: {  	s1 =	ssub.s32 @!p0 $0x0, s1;
	[sflag:s0] =	ssyncset.done @!p0 $0x0  }
0x9e: {  	[sflag:s0] =	ssyncadd.s32 @!p0 s1  }
0x9f: {  	[bflag:$0x3] =	sbarrier.arrive $0xFFFF  }
0xa0: {  	_ =	shalt  }

</sc_bundles>
